<compile_context>
chip_gen: v7x
topology: tpu7x:2x2x1
jax: 0.10.2.dev20260603
libtpu: 0.0.44.dev20260713+nightly
codegen_flags: <defaults>
</compile_context>

<pallas_src>
import functools

import jax
import jax.numpy as jnp
from jax import lax
from jax.experimental import pallas as pl
from jax.experimental.pallas import tpu as pltpu
from jax.experimental.pallas import tpu_sc as plsc

D_MODEL = 128
TABLE_ROWS = 512

_info = plsc.get_sparse_core_info()
NC, NS = _info.num_cores, _info.num_subcores
NW = NC * NS

B = 4096 * 200
CHUNK = 64
N_CHUNK = B // (NW * CHUNK)
ROWS_PER_W = B // NW


NBUF = 8
N_GROUP = N_CHUNK // NBUF


def _body(ids_hbm, table_hbm, out_hbm, idx_v, *rest):
    rows = list(rest[:NBUF])
    table_spm = rest[NBUF]
    gsem = list(rest[NBUF + 1:2 * NBUF + 1])
    ssem = list(rest[2 * NBUF + 1:])

    sid = lax.axis_index("s")
    cid = lax.axis_index("c")
    wid = sid * NC + cid

    @pl.when(sid == 0)
    def _():
        pltpu.sync_copy(table_hbm, table_spm)

    plsc.subcore_barrier()

    pltpu.sync_copy(ids_hbm.at[pl.ds(wid * N_CHUNK, N_CHUNK)], idx_v)

    out_base = wid * ROWS_PER_W

    def gather(j, b):
        pltpu.async_copy(table_spm.at[idx_v.at[j]], rows[b], gsem[b])

    def scatter(j, b):
        pltpu.async_copy(
            rows[b], out_hbm.at[pl.ds(out_base + j * CHUNK, CHUNK)], ssem[b])

    def wait_gather(b):
        pltpu.make_async_copy(
            table_spm.at[idx_v.at[0]], rows[b], gsem[b]).wait()

    def wait_scatter(b):
        pltpu.make_async_copy(
            rows[b], out_hbm.at[pl.ds(out_base, CHUNK)], ssem[b]).wait()

    for b in range(NBUF):
        gather(b, b)

    def group(g, carry):
        for b in range(NBUF):
            wait_gather(b)
            scatter(g * NBUF + b, b)
        for b in range(NBUF):
            wait_scatter(b)
            gather((g + 1) * NBUF + b, b)
        return carry

    lax.fori_loop(0, N_GROUP - 1, group, 0)

    last = (N_GROUP - 1) * NBUF
    for b in range(NBUF):
        wait_gather(b)
        scatter(last + b, b)
    for b in range(NBUF):
        wait_scatter(b)


@jax.jit
def kernel(branch_ids, branch_embed_weight):
    ids = branch_ids.astype(jnp.int32).reshape(B // CHUNK, CHUNK)
    run = pl.kernel(
        _body,
        out_type=jax.ShapeDtypeStruct((B, D_MODEL), jnp.float32),
        mesh=plsc.VectorSubcoreMesh(core_axis_name="c", subcore_axis_name="s"),
        scratch_types=(
            [pltpu.VMEM((N_CHUNK, CHUNK), jnp.int32)]
            + [pltpu.VMEM((CHUNK, D_MODEL), jnp.float32)] * NBUF
            + [pltpu.VMEM_SHARED((TABLE_ROWS, D_MODEL), jnp.float32)]
            + [pltpu.SemaphoreType.DMA] * (2 * NBUF)
        ),
    )
    out = run(ids, branch_embed_weight)
    return out.reshape(branch_ids.shape + (D_MODEL,))

# --- scband reference (transcript-rebuilt; emitter-appended) ---
"""Pipeline reference for scband-learnable-branch-encoding-26070451486885 (READ-ONLY COPY).

The authoritative reference and input builder live on the scoring server;
editing this copy changes nothing except your own understanding.
"""

import jax, jax.numpy as jnp
import numpy as np

D_MODEL = 128
MAX_BRANCHES = 512


def setup_inputs(seed: int = 0) -> dict:
    key = jax.random.key(seed)
    k1, k2 = jax.random.split(key)
    branch_ids = jax.random.randint(k1, (4096, 200), 0, MAX_BRANCHES, dtype=jnp.int64 if jax.config.read('jax_enable_x64') else jnp.int32)
    # learnable embedding table, init normal(0, 0.02) like the torch module
    branch_embed_weight = jax.random.normal(k2, (MAX_BRANCHES, D_MODEL), dtype=jnp.float32) * 0.02
    return {"branch_ids": branch_ids, "branch_embed_weight": branch_embed_weight}


def reference(branch_ids, branch_embed_weight):
    # clamp ids into [0, max_branches-1]
    ids = jnp.clip(branch_ids.astype(jnp.int32), 0, MAX_BRANCHES - 1)
    # embedding lookup: gather rows of the table
    embeddings = jnp.take(branch_embed_weight, ids, axis=0)
    # dropout=0.0 -> identity
    return embeddings

if __name__ == "__main__":
    import jax
    _d = setup_inputs()
    print(jax.jit(kernel)(*tuple(_d.values())))

</pallas_src>

<mosaic_0001>
#map = affine_map<(d0, d1) -> (0, 0)>
module attributes {stable_mosaic.version = 14 : i64} {
  func.func @_body(%arg0: i32, %arg1: i32, %arg2: memref<12800x64xi32, #tpu.memory_space<hbm>>, %arg3: memref<512x128xf32, #tpu.memory_space<hbm>>, %arg4: memref<819200x128xf32, #tpu.memory_space<hbm>>, %arg5: memref<400x64xi32, #tpu.memory_space<vmem>>, %arg6: memref<64x128xf32, #tpu.memory_space<vmem>>, %arg7: memref<64x128xf32, #tpu.memory_space<vmem>>, %arg8: memref<64x128xf32, #tpu.memory_space<vmem>>, %arg9: memref<64x128xf32, #tpu.memory_space<vmem>>, %arg10: memref<64x128xf32, #tpu.memory_space<vmem>>, %arg11: memref<64x128xf32, #tpu.memory_space<vmem>>, %arg12: memref<64x128xf32, #tpu.memory_space<vmem>>, %arg13: memref<64x128xf32, #tpu.memory_space<vmem>>, %arg14: memref<512x128xf32, #tpu.memory_space<vmem_shared>>, %arg15: memref<!tpu.dma_semaphore, #tpu.memory_space<semaphore_mem>>, %arg16: memref<!tpu.dma_semaphore, #tpu.memory_space<semaphore_mem>>, %arg17: memref<!tpu.dma_semaphore, #tpu.memory_space<semaphore_mem>>, %arg18: memref<!tpu.dma_semaphore, #tpu.memory_space<semaphore_mem>>, %arg19: memref<!tpu.dma_semaphore, #tpu.memory_space<semaphore_mem>>, %arg20: memref<!tpu.dma_semaphore, #tpu.memory_space<semaphore_mem>>, %arg21: memref<!tpu.dma_semaphore, #tpu.memory_space<semaphore_mem>>, %arg22: memref<!tpu.dma_semaphore, #tpu.memory_space<semaphore_mem>>, %arg23: memref<!tpu.dma_semaphore, #tpu.memory_space<semaphore_mem>>, %arg24: memref<!tpu.dma_semaphore, #tpu.memory_space<semaphore_mem>>, %arg25: memref<!tpu.dma_semaphore, #tpu.memory_space<semaphore_mem>>, %arg26: memref<!tpu.dma_semaphore, #tpu.memory_space<semaphore_mem>>, %arg27: memref<!tpu.dma_semaphore, #tpu.memory_space<semaphore_mem>>, %arg28: memref<!tpu.dma_semaphore, #tpu.memory_space<semaphore_mem>>, %arg29: memref<!tpu.dma_semaphore, #tpu.memory_space<semaphore_mem>>, %arg30: memref<!tpu.dma_semaphore, #tpu.memory_space<semaphore_mem>>) attributes {dimension_semantics = [#tpu.dimension_semantics<core_parallel>, #tpu.dimension_semantics<subcore_parallel>], iteration_bounds = array<i64: 2, 16>, scalar_prefetch = 0 : i64, scratch_operands = 26 : i64, tpu.core_type = #tpu.core_type<sc_vector_subcore>, window_params = [{transform_indices = #map}, {transform_indices = #map}, {transform_indices = #map}]} {
    %mul3A = arith.constant 2 : i32
    %mul3A_0 = arith.muli %arg1, %mul3A : i32
    %add3A = arith.addi %mul3A_0, %arg0 : i32
    %eq3A = arith.constant 0 : i32
    %eq3A_1 = arith.cmpi eq, %arg1, %eq3A : i32
    %convert_element_type3A = arith.extui %eq3A_1 : i1 to i32
    %cond3A = arith.constant 0 : i32
    %cond3A_2 = arith.cmpi ne, %convert_element_type3A, %cond3A : i32
    scf.if %cond3A_2 {
      "tpu.region"() ({
        %run_scoped3A = tpu.sem_alloc : memref<!tpu.dma_semaphore, #tpu.memory_space<semaphore_mem>>
        tpu.enqueue_dma source(%arg3 : memref<512x128xf32, #tpu.memory_space<hbm>>) target(%arg14 : memref<512x128xf32, #tpu.memory_space<vmem_shared>>) target_semaphore(%run_scoped3A : memref<!tpu.dma_semaphore, #tpu.memory_space<semaphore_mem>>)
        tpu.wait_dma2 semaphore(%run_scoped3A : memref<!tpu.dma_semaphore, #tpu.memory_space<semaphore_mem>>) src(%arg3 : memref<512x128xf32, #tpu.memory_space<hbm>>) dst(%arg14 : memref<512x128xf32, #tpu.memory_space<vmem_shared>>)
        tpu.yield
      }) : () -> ()
    } else {
    }
    %barrier3A = arith.constant 0 : index
    tpu.barrier barrier_id(%barrier3A)
    %mul3A_3 = arith.constant 400 : i32
    %mul3A_4 = arith.muli %add3A, %mul3A_3 : i32
    "tpu.region"() ({
      %run_scoped3A = tpu.sem_alloc : memref<!tpu.dma_semaphore, #tpu.memory_space<semaphore_mem>>
      %dma_start3A_202 = arith.constant 0 : i32
      %dma_start3A_203 = tpu.memref_slice %arg2[%mul3A_4, %dma_start3A_202] : memref<12800x64xi32, #tpu.memory_space<hbm>> -> memref<400x64xi32, #tpu.memory_space<hbm>>
      %dma_start3A_204 = arith.constant 0 : i32
      %dma_start3A_205 = tpu.memref_slice %arg2[%mul3A_4, %dma_start3A_204] : memref<12800x64xi32, #tpu.memory_space<hbm>> -> memref<400x64xi32, #tpu.memory_space<hbm>>
      tpu.enqueue_dma source(%dma_start3A_205 : memref<400x64xi32, #tpu.memory_space<hbm>>) target(%arg5 : memref<400x64xi32, #tpu.memory_space<vmem>>) target_semaphore(%run_scoped3A : memref<!tpu.dma_semaphore, #tpu.memory_space<semaphore_mem>>)
      %dma_wait3A_206 = arith.constant 0 : i32
      %dma_wait3A_207 = tpu.memref_slice %arg2[%mul3A_4, %dma_wait3A_206] : memref<12800x64xi32, #tpu.memory_space<hbm>> -> memref<400x64xi32, #tpu.memory_space<hbm>>
      %dma_wait3A_208 = arith.constant 0 : i32
      %dma_wait3A_209 = tpu.memref_slice %arg2[%mul3A_4, %dma_wait3A_208] : memref<12800x64xi32, #tpu.memory_space<hbm>> -> memref<400x64xi32, #tpu.memory_space<hbm>>
      tpu.wait_dma2 semaphore(%run_scoped3A : memref<!tpu.dma_semaphore, #tpu.memory_space<semaphore_mem>>) src(%dma_wait3A_209 : memref<400x64xi32, #tpu.memory_space<hbm>>) dst(%arg5 : memref<400x64xi32, #tpu.memory_space<vmem>>)
      tpu.yield
    }) : () -> ()
    %mul3A_5 = arith.constant 25600 : i32
    %mul3A_6 = arith.muli %add3A, %mul3A_5 : i32
    %dma_start3A = arith.constant 0 : i32
    %dma_start3A_7 = arith.constant 0 : i32
    %dma_start3A_8 = tpu.memref_slice %arg5[%dma_start3A, %dma_start3A_7] : memref<400x64xi32, #tpu.memory_space<vmem>> -> memref<1x64xi32, #tpu.memory_space<vmem>>
    %dma_start3A_9 = tpu.memref_squeeze %dma_start3A_8 : memref<1x64xi32, #tpu.memory_space<vmem>> -> memref<64xi32, #tpu.memory_space<vmem>>
    %dma_start3A_10 = arith.constant 0 : i32
    %dma_start3A_11 = arith.constant 0 : i32
    %dma_start3A_12 = tpu.memref_slice %arg14[%dma_start3A_10, %dma_start3A_11] : memref<512x128xf32, #tpu.memory_space<vmem_shared>> -> memref<512x128xf32, #tpu.memory_space<vmem_shared>>
    tpu.enqueue_indirect_dma source(%dma_start3A_12 : memref<512x128xf32, #tpu.memory_space<vmem_shared>>) target(%arg6 : memref<64x128xf32, #tpu.memory_space<vmem>>) offsets(%dma_start3A_9 : memref<64xi32, #tpu.memory_space<vmem>>) semaphore(%arg15 : memref<!tpu.dma_semaphore, #tpu.memory_space<semaphore_mem>>)
    %dma_start3A_13 = arith.constant 1 : i32
    %dma_start3A_14 = arith.constant 0 : i32
    %dma_start3A_15 = tpu.memref_slice %arg5[%dma_start3A_13, %dma_start3A_14] : memref<400x64xi32, #tpu.memory_space<vmem>> -> memref<1x64xi32, #tpu.memory_space<vmem>>
    %dma_start3A_16 = tpu.memref_squeeze %dma_start3A_15 : memref<1x64xi32, #tpu.memory_space<vmem>> -> memref<64xi32, #tpu.memory_space<vmem>>
    %dma_start3A_17 = arith.constant 0 : i32
    %dma_start3A_18 = arith.constant 0 : i32
    %dma_start3A_19 = tpu.memref_slice %arg14[%dma_start3A_17, %dma_start3A_18] : memref<512x128xf32, #tpu.memory_space<vmem_shared>> -> memref<512x128xf32, #tpu.memory_space<vmem_shared>>
    tpu.enqueue_indirect_dma source(%dma_start3A_19 : memref<512x128xf32, #tpu.memory_space<vmem_shared>>) target(%arg7 : memref<64x128xf32, #tpu.memory_space<vmem>>) offsets(%dma_start3A_16 : memref<64xi32, #tpu.memory_space<vmem>>) semaphore(%arg16 : memref<!tpu.dma_semaphore, #tpu.memory_space<semaphore_mem>>)
    %dma_start3A_20 = arith.constant 2 : i32
    %dma_start3A_21 = arith.constant 0 : i32
    %dma_start3A_22 = tpu.memref_slice %arg5[%dma_start3A_20, %dma_start3A_21] : memref<400x64xi32, #tpu.memory_space<vmem>> -> memref<1x64xi32, #tpu.memory_space<vmem>>
    %dma_start3A_23 = tpu.memref_squeeze %dma_start3A_22 : memref<1x64xi32, #tpu.memory_space<vmem>> -> memref<64xi32, #tpu.memory_space<vmem>>
    %dma_start3A_24 = arith.constant 0 : i32
    %dma_start3A_25 = arith.constant 0 : i32
    %dma_start3A_26 = tpu.memref_slice %arg14[%dma_start3A_24, %dma_start3A_25] : memref<512x128xf32, #tpu.memory_space<vmem_shared>> -> memref<512x128xf32, #tpu.memory_space<vmem_shared>>
    tpu.enqueue_indirect_dma source(%dma_start3A_26 : memref<512x128xf32, #tpu.memory_space<vmem_shared>>) target(%arg8 : memref<64x128xf32, #tpu.memory_space<vmem>>) offsets(%dma_start3A_23 : memref<64xi32, #tpu.memory_space<vmem>>) semaphore(%arg17 : memref<!tpu.dma_semaphore, #tpu.memory_space<semaphore_mem>>)
    %dma_start3A_27 = arith.constant 3 : i32
    %dma_start3A_28 = arith.constant 0 : i32
    %dma_start3A_29 = tpu.memref_slice %arg5[%dma_start3A_27, %dma_start3A_28] : memref<400x64xi32, #tpu.memory_space<vmem>> -> memref<1x64xi32, #tpu.memory_space<vmem>>
    %dma_start3A_30 = tpu.memref_squeeze %dma_start3A_29 : memref<1x64xi32, #tpu.memory_space<vmem>> -> memref<64xi32, #tpu.memory_space<vmem>>
    %dma_start3A_31 = arith.constant 0 : i32
    %dma_start3A_32 = arith.constant 0 : i32
    %dma_start3A_33 = tpu.memref_slice %arg14[%dma_start3A_31, %dma_start3A_32] : memref<512x128xf32, #tpu.memory_space<vmem_shared>> -> memref<512x128xf32, #tpu.memory_space<vmem_shared>>
    tpu.enqueue_indirect_dma source(%dma_start3A_33 : memref<512x128xf32, #tpu.memory_space<vmem_shared>>) target(%arg9 : memref<64x128xf32, #tpu.memory_space<vmem>>) offsets(%dma_start3A_30 : memref<64xi32, #tpu.memory_space<vmem>>) semaphore(%arg18 : memref<!tpu.dma_semaphore, #tpu.memory_space<semaphore_mem>>)
    %dma_start3A_34 = arith.constant 4 : i32
    %dma_start3A_35 = arith.constant 0 : i32
    %dma_start3A_36 = tpu.memref_slice %arg5[%dma_start3A_34, %dma_start3A_35] : memref<400x64xi32, #tpu.memory_space<vmem>> -> memref<1x64xi32, #tpu.memory_space<vmem>>
    %dma_start3A_37 = tpu.memref_squeeze %dma_start3A_36 : memref<1x64xi32, #tpu.memory_space<vmem>> -> memref<64xi32, #tpu.memory_space<vmem>>
    %dma_start3A_38 = arith.constant 0 : i32
    %dma_start3A_39 = arith.constant 0 : i32
    %dma_start3A_40 = tpu.memref_slice %arg14[%dma_start3A_38, %dma_start3A_39] : memref<512x128xf32, #tpu.memory_space<vmem_shared>> -> memref<512x128xf32, #tpu.memory_space<vmem_shared>>
    tpu.enqueue_indirect_dma source(%dma_start3A_40 : memref<512x128xf32, #tpu.memory_space<vmem_shared>>) target(%arg10 : memref<64x128xf32, #tpu.memory_space<vmem>>) offsets(%dma_start3A_37 : memref<64xi32, #tpu.memory_space<vmem>>) semaphore(%arg19 : memref<!tpu.dma_semaphore, #tpu.memory_space<semaphore_mem>>)
    %dma_start3A_41 = arith.constant 5 : i32
    %dma_start3A_42 = arith.constant 0 : i32
    %dma_start3A_43 = tpu.memref_slice %arg5[%dma_start3A_41, %dma_start3A_42] : memref<400x64xi32, #tpu.memory_space<vmem>> -> memref<1x64xi32, #tpu.memory_space<vmem>>
    %dma_start3A_44 = tpu.memref_squeeze %dma_start3A_43 : memref<1x64xi32, #tpu.memory_space<vmem>> -> memref<64xi32, #tpu.memory_space<vmem>>
    %dma_start3A_45 = arith.constant 0 : i32
    %dma_start3A_46 = arith.constant 0 : i32
    %dma_start3A_47 = tpu.memref_slice %arg14[%dma_start3A_45, %dma_start3A_46] : memref<512x128xf32, #tpu.memory_space<vmem_shared>> -> memref<512x128xf32, #tpu.memory_space<vmem_shared>>
    tpu.enqueue_indirect_dma source(%dma_start3A_47 : memref<512x128xf32, #tpu.memory_space<vmem_shared>>) target(%arg11 : memref<64x128xf32, #tpu.memory_space<vmem>>) offsets(%dma_start3A_44 : memref<64xi32, #tpu.memory_space<vmem>>) semaphore(%arg20 : memref<!tpu.dma_semaphore, #tpu.memory_space<semaphore_mem>>)
    %dma_start3A_48 = arith.constant 6 : i32
    %dma_start3A_49 = arith.constant 0 : i32
    %dma_start3A_50 = tpu.memref_slice %arg5[%dma_start3A_48, %dma_start3A_49] : memref<400x64xi32, #tpu.memory_space<vmem>> -> memref<1x64xi32, #tpu.memory_space<vmem>>
    %dma_start3A_51 = tpu.memref_squeeze %dma_start3A_50 : memref<1x64xi32, #tpu.memory_space<vmem>> -> memref<64xi32, #tpu.memory_space<vmem>>
    %dma_start3A_52 = arith.constant 0 : i32
    %dma_start3A_53 = arith.constant 0 : i32
    %dma_start3A_54 = tpu.memref_slice %arg14[%dma_start3A_52, %dma_start3A_53] : memref<512x128xf32, #tpu.memory_space<vmem_shared>> -> memref<512x128xf32, #tpu.memory_space<vmem_shared>>
    tpu.enqueue_indirect_dma source(%dma_start3A_54 : memref<512x128xf32, #tpu.memory_space<vmem_shared>>) target(%arg12 : memref<64x128xf32, #tpu.memory_space<vmem>>) offsets(%dma_start3A_51 : memref<64xi32, #tpu.memory_space<vmem>>) semaphore(%arg21 : memref<!tpu.dma_semaphore, #tpu.memory_space<semaphore_mem>>)
    %dma_start3A_55 = arith.constant 7 : i32
    %dma_start3A_56 = arith.constant 0 : i32
    %dma_start3A_57 = tpu.memref_slice %arg5[%dma_start3A_55, %dma_start3A_56] : memref<400x64xi32, #tpu.memory_space<vmem>> -> memref<1x64xi32, #tpu.memory_space<vmem>>
    %dma_start3A_58 = tpu.memref_squeeze %dma_start3A_57 : memref<1x64xi32, #tpu.memory_space<vmem>> -> memref<64xi32, #tpu.memory_space<vmem>>
    %dma_start3A_59 = arith.constant 0 : i32
    %dma_start3A_60 = arith.constant 0 : i32
    %dma_start3A_61 = tpu.memref_slice %arg14[%dma_start3A_59, %dma_start3A_60] : memref<512x128xf32, #tpu.memory_space<vmem_shared>> -> memref<512x128xf32, #tpu.memory_space<vmem_shared>>
    tpu.enqueue_indirect_dma source(%dma_start3A_61 : memref<512x128xf32, #tpu.memory_space<vmem_shared>>) target(%arg13 : memref<64x128xf32, #tpu.memory_space<vmem>>) offsets(%dma_start3A_58 : memref<64xi32, #tpu.memory_space<vmem>>) semaphore(%arg22 : memref<!tpu.dma_semaphore, #tpu.memory_space<semaphore_mem>>)
    %scan3A = arith.constant 0 : i32
    %scan3A_62 = arith.constant 0 : i32
    %scan3A_63 = arith.constant 49 : i32
    %scan3A_64 = arith.addi %scan3A_62, %scan3A_63 : i32
    %scan3A_65 = arith.constant 1 : i32
    scf.for %scan3A_202 = %scan3A_62 to %scan3A_64 step %scan3A_65  : i32 {
      %dma_wait3A_203 = arith.constant 0 : i32
      %dma_wait3A_204 = arith.constant 0 : i32
      %dma_wait3A_205 = tpu.memref_slice %arg5[%dma_wait3A_203, %dma_wait3A_204] : memref<400x64xi32, #tpu.memory_space<vmem>> -> memref<1x64xi32, #tpu.memory_space<vmem>>
      %dma_wait3A_206 = tpu.memref_squeeze %dma_wait3A_205 : memref<1x64xi32, #tpu.memory_space<vmem>> -> memref<64xi32, #tpu.memory_space<vmem>>
      %dma_wait3A_207 = arith.constant 0 : i32
      %dma_wait3A_208 = arith.constant 0 : i32
      %dma_wait3A_209 = tpu.memref_slice %arg14[%dma_wait3A_207, %dma_wait3A_208] : memref<512x128xf32, #tpu.memory_space<vmem_shared>> -> memref<512x128xf32, #tpu.memory_space<vmem_shared>>
      tpu.wait_indirect_dma semaphore(%arg15 : memref<!tpu.dma_semaphore, #tpu.memory_space<semaphore_mem>>) src(%dma_wait3A_209 : memref<512x128xf32, #tpu.memory_space<vmem_shared>>) dst(%arg6 : memref<64x128xf32, #tpu.memory_space<vmem>>)
      %mul3A_210 = arith.constant 8 : i32
      %mul3A_211 = arith.muli %scan3A_202, %mul3A_210 : i32
      %add3A_212 = arith.constant 0 : i32
      %add3A_213 = arith.addi %mul3A_211, %add3A_212 : i32
      %mul3A_214 = arith.constant 64 : i32
      %mul3A_215 = arith.muli %add3A_213, %mul3A_214 : i32
      %add3A_216 = arith.addi %mul3A_6, %mul3A_215 : i32
      %dma_start3A_217 = arith.constant 0 : i32
      %dma_start3A_218 = tpu.memref_slice %arg4[%add3A_216, %dma_start3A_217] : memref<819200x128xf32, #tpu.memory_space<hbm>> -> memref<64x128xf32, #tpu.memory_space<hbm>>
      %dma_start3A_219 = arith.constant 0 : i32
      %dma_start3A_220 = tpu.memref_slice %arg4[%add3A_216, %dma_start3A_219] : memref<819200x128xf32, #tpu.memory_space<hbm>> -> memref<64x128xf32, #tpu.memory_space<hbm>>
      tpu.enqueue_dma source(%arg6 : memref<64x128xf32, #tpu.memory_space<vmem>>) target(%dma_start3A_220 : memref<64x128xf32, #tpu.memory_space<hbm>>) target_semaphore(%arg23 : memref<!tpu.dma_semaphore, #tpu.memory_space<semaphore_mem>>)
      %dma_wait3A_221 = arith.constant 0 : i32
      %dma_wait3A_222 = arith.constant 0 : i32
      %dma_wait3A_223 = tpu.memref_slice %arg5[%dma_wait3A_221, %dma_wait3A_222] : memref<400x64xi32, #tpu.memory_space<vmem>> -> memref<1x64xi32, #tpu.memory_space<vmem>>
      %dma_wait3A_224 = tpu.memref_squeeze %dma_wait3A_223 : memref<1x64xi32, #tpu.memory_space<vmem>> -> memref<64xi32, #tpu.memory_space<vmem>>
      %dma_wait3A_225 = arith.constant 0 : i32
      %dma_wait3A_226 = arith.constant 0 : i32
      %dma_wait3A_227 = tpu.memref_slice %arg14[%dma_wait3A_225, %dma_wait3A_226] : memref<512x128xf32, #tpu.memory_space<vmem_shared>> -> memref<512x128xf32, #tpu.memory_space<vmem_shared>>
      tpu.wait_indirect_dma semaphore(%arg16 : memref<!tpu.dma_semaphore, #tpu.memory_space<semaphore_mem>>) src(%dma_wait3A_227 : memref<512x128xf32, #tpu.memory_space<vmem_shared>>) dst(%arg7 : memref<64x128xf32, #tpu.memory_space<vmem>>)
      %mul3A_228 = arith.constant 8 : i32
      %mul3A_229 = arith.muli %scan3A_202, %mul3A_228 : i32
      %add3A_230 = arith.constant 1 : i32
      %add3A_231 = arith.addi %mul3A_229, %add3A_230 : i32
      %mul3A_232 = arith.constant 64 : i32
      %mul3A_233 = arith.muli %add3A_231, %mul3A_232 : i32
      %add3A_234 = arith.addi %mul3A_6, %mul3A_233 : i32
      %dma_start3A_235 = arith.constant 0 : i32
      %dma_start3A_236 = tpu.memref_slice %arg4[%add3A_234, %dma_start3A_235] : memref<819200x128xf32, #tpu.memory_space<hbm>> -> memref<64x128xf32, #tpu.memory_space<hbm>>
      %dma_start3A_237 = arith.constant 0 : i32
      %dma_start3A_238 = tpu.memref_slice %arg4[%add3A_234, %dma_start3A_237] : memref<819200x128xf32, #tpu.memory_space<hbm>> -> memref<64x128xf32, #tpu.memory_space<hbm>>
      tpu.enqueue_dma source(%arg7 : memref<64x128xf32, #tpu.memory_space<vmem>>) target(%dma_start3A_238 : memref<64x128xf32, #tpu.memory_space<hbm>>) target_semaphore(%arg24 : memref<!tpu.dma_semaphore, #tpu.memory_space<semaphore_mem>>)
      %dma_wait3A_239 = arith.constant 0 : i32
      %dma_wait3A_240 = arith.constant 0 : i32
      %dma_wait3A_241 = tpu.memref_slice %arg5[%dma_wait3A_239, %dma_wait3A_240] : memref<400x64xi32, #tpu.memory_space<vmem>> -> memref<1x64xi32, #tpu.memory_space<vmem>>
      %dma_wait3A_242 = tpu.memref_squeeze %dma_wait3A_241 : memref<1x64xi32, #tpu.memory_space<vmem>> -> memref<64xi32, #tpu.memory_space<vmem>>
      %dma_wait3A_243 = arith.constant 0 : i32
      %dma_wait3A_244 = arith.constant 0 : i32
      %dma_wait3A_245 = tpu.memref_slice %arg14[%dma_wait3A_243, %dma_wait3A_244] : memref<512x128xf32, #tpu.memory_space<vmem_shared>> -> memref<512x128xf32, #tpu.memory_space<vmem_shared>>
      tpu.wait_indirect_dma semaphore(%arg17 : memref<!tpu.dma_semaphore, #tpu.memory_space<semaphore_mem>>) src(%dma_wait3A_245 : memref<512x128xf32, #tpu.memory_space<vmem_shared>>) dst(%arg8 : memref<64x128xf32, #tpu.memory_space<vmem>>)
      %mul3A_246 = arith.constant 8 : i32
      %mul3A_247 = arith.muli %scan3A_202, %mul3A_246 : i32
      %add3A_248 = arith.constant 2 : i32
      %add3A_249 = arith.addi %mul3A_247, %add3A_248 : i32
      %mul3A_250 = arith.constant 64 : i32
      %mul3A_251 = arith.muli %add3A_249, %mul3A_250 : i32
      %add3A_252 = arith.addi %mul3A_6, %mul3A_251 : i32
      %dma_start3A_253 = arith.constant 0 : i32
      %dma_start3A_254 = tpu.memref_slice %arg4[%add3A_252, %dma_start3A_253] : memref<819200x128xf32, #tpu.memory_space<hbm>> -> memref<64x128xf32, #tpu.memory_space<hbm>>
      %dma_start3A_255 = arith.constant 0 : i32
      %dma_start3A_256 = tpu.memref_slice %arg4[%add3A_252, %dma_start3A_255] : memref<819200x128xf32, #tpu.memory_space<hbm>> -> memref<64x128xf32, #tpu.memory_space<hbm>>
      tpu.enqueue_dma source(%arg8 : memref<64x128xf32, #tpu.memory_space<vmem>>) target(%dma_start3A_256 : memref<64x128xf32, #tpu.memory_space<hbm>>) target_semaphore(%arg25 : memref<!tpu.dma_semaphore, #tpu.memory_space<semaphore_mem>>)
      %dma_wait3A_257 = arith.constant 0 : i32
      %dma_wait3A_258 = arith.constant 0 : i32
      %dma_wait3A_259 = tpu.memref_slice %arg5[%dma_wait3A_257, %dma_wait3A_258] : memref<400x64xi32, #tpu.memory_space<vmem>> -> memref<1x64xi32, #tpu.memory_space<vmem>>
      %dma_wait3A_260 = tpu.memref_squeeze %dma_wait3A_259 : memref<1x64xi32, #tpu.memory_space<vmem>> -> memref<64xi32, #tpu.memory_space<vmem>>
      %dma_wait3A_261 = arith.constant 0 : i32
      %dma_wait3A_262 = arith.constant 0 : i32
      %dma_wait3A_263 = tpu.memref_slice %arg14[%dma_wait3A_261, %dma_wait3A_262] : memref<512x128xf32, #tpu.memory_space<vmem_shared>> -> memref<512x128xf32, #tpu.memory_space<vmem_shared>>
      tpu.wait_indirect_dma semaphore(%arg18 : memref<!tpu.dma_semaphore, #tpu.memory_space<semaphore_mem>>) src(%dma_wait3A_263 : memref<512x128xf32, #tpu.memory_space<vmem_shared>>) dst(%arg9 : memref<64x128xf32, #tpu.memory_space<vmem>>)
      %mul3A_264 = arith.constant 8 : i32
      %mul3A_265 = arith.muli %scan3A_202, %mul3A_264 : i32
      %add3A_266 = arith.constant 3 : i32
      %add3A_267 = arith.addi %mul3A_265, %add3A_266 : i32
      %mul3A_268 = arith.constant 64 : i32
      %mul3A_269 = arith.muli %add3A_267, %mul3A_268 : i32
      %add3A_270 = arith.addi %mul3A_6, %mul3A_269 : i32
      %dma_start3A_271 = arith.constant 0 : i32
      %dma_start3A_272 = tpu.memref_slice %arg4[%add3A_270, %dma_start3A_271] : memref<819200x128xf32, #tpu.memory_space<hbm>> -> memref<64x128xf32, #tpu.memory_space<hbm>>
      %dma_start3A_273 = arith.constant 0 : i32
      %dma_start3A_274 = tpu.memref_slice %arg4[%add3A_270, %dma_start3A_273] : memref<819200x128xf32, #tpu.memory_space<hbm>> -> memref<64x128xf32, #tpu.memory_space<hbm>>
      tpu.enqueue_dma source(%arg9 : memref<64x128xf32, #tpu.memory_space<vmem>>) target(%dma_start3A_274 : memref<64x128xf32, #tpu.memory_space<hbm>>) target_semaphore(%arg26 : memref<!tpu.dma_semaphore, #tpu.memory_space<semaphore_mem>>)
      %dma_wait3A_275 = arith.constant 0 : i32
      %dma_wait3A_276 = arith.constant 0 : i32
      %dma_wait3A_277 = tpu.memref_slice %arg5[%dma_wait3A_275, %dma_wait3A_276] : memref<400x64xi32, #tpu.memory_space<vmem>> -> memref<1x64xi32, #tpu.memory_space<vmem>>
      %dma_wait3A_278 = tpu.memref_squeeze %dma_wait3A_277 : memref<1x64xi32, #tpu.memory_space<vmem>> -> memref<64xi32, #tpu.memory_space<vmem>>
      %dma_wait3A_279 = arith.constant 0 : i32
      %dma_wait3A_280 = arith.constant 0 : i32
      %dma_wait3A_281 = tpu.memref_slice %arg14[%dma_wait3A_279, %dma_wait3A_280] : memref<512x128xf32, #tpu.memory_space<vmem_shared>> -> memref<512x128xf32, #tpu.memory_space<vmem_shared>>
      tpu.wait_indirect_dma semaphore(%arg19 : memref<!tpu.dma_semaphore, #tpu.memory_space<semaphore_mem>>) src(%dma_wait3A_281 : memref<512x128xf32, #tpu.memory_space<vmem_shared>>) dst(%arg10 : memref<64x128xf32, #tpu.memory_space<vmem>>)
      %mul3A_282 = arith.constant 8 : i32
      %mul3A_283 = arith.muli %scan3A_202, %mul3A_282 : i32
      %add3A_284 = arith.constant 4 : i32
      %add3A_285 = arith.addi %mul3A_283, %add3A_284 : i32
      %mul3A_286 = arith.constant 64 : i32
      %mul3A_287 = arith.muli %add3A_285, %mul3A_286 : i32
      %add3A_288 = arith.addi %mul3A_6, %mul3A_287 : i32
      %dma_start3A_289 = arith.constant 0 : i32
      %dma_start3A_290 = tpu.memref_slice %arg4[%add3A_288, %dma_start3A_289] : memref<819200x128xf32, #tpu.memory_space<hbm>> -> memref<64x128xf32, #tpu.memory_space<hbm>>
      %dma_start3A_291 = arith.constant 0 : i32
      %dma_start3A_292 = tpu.memref_slice %arg4[%add3A_288, %dma_start3A_291] : memref<819200x128xf32, #tpu.memory_space<hbm>> -> memref<64x128xf32, #tpu.memory_space<hbm>>
      tpu.enqueue_dma source(%arg10 : memref<64x128xf32, #tpu.memory_space<vmem>>) target(%dma_start3A_292 : memref<64x128xf32, #tpu.memory_space<hbm>>) target_semaphore(%arg27 : memref<!tpu.dma_semaphore, #tpu.memory_space<semaphore_mem>>)
      %dma_wait3A_293 = arith.constant 0 : i32
      %dma_wait3A_294 = arith.constant 0 : i32
      %dma_wait3A_295 = tpu.memref_slice %arg5[%dma_wait3A_293, %dma_wait3A_294] : memref<400x64xi32, #tpu.memory_space<vmem>> -> memref<1x64xi32, #tpu.memory_space<vmem>>
      %dma_wait3A_296 = tpu.memref_squeeze %dma_wait3A_295 : memref<1x64xi32, #tpu.memory_space<vmem>> -> memref<64xi32, #tpu.memory_space<vmem>>
      %dma_wait3A_297 = arith.constant 0 : i32
      %dma_wait3A_298 = arith.constant 0 : i32
      %dma_wait3A_299 = tpu.memref_slice %arg14[%dma_wait3A_297, %dma_wait3A_298] : memref<512x128xf32, #tpu.memory_space<vmem_shared>> -> memref<512x128xf32, #tpu.memory_space<vmem_shared>>
      tpu.wait_indirect_dma semaphore(%arg20 : memref<!tpu.dma_semaphore, #tpu.memory_space<semaphore_mem>>) src(%dma_wait3A_299 : memref<512x128xf32, #tpu.memory_space<vmem_shared>>) dst(%arg11 : memref<64x128xf32, #tpu.memory_space<vmem>>)
      %mul3A_300 = arith.constant 8 : i32
      %mul3A_301 = arith.muli %scan3A_202, %mul3A_300 : i32
      %add3A_302 = arith.constant 5 : i32
      %add3A_303 = arith.addi %mul3A_301, %add3A_302 : i32
      %mul3A_304 = arith.constant 64 : i32
      %mul3A_305 = arith.muli %add3A_303, %mul3A_304 : i32
      %add3A_306 = arith.addi %mul3A_6, %mul3A_305 : i32
      %dma_start3A_307 = arith.constant 0 : i32
      %dma_start3A_308 = tpu.memref_slice %arg4[%add3A_306, %dma_start3A_307] : memref<819200x128xf32, #tpu.memory_space<hbm>> -> memref<64x128xf32, #tpu.memory_space<hbm>>
      %dma_start3A_309 = arith.constant 0 : i32
      %dma_start3A_310 = tpu.memref_slice %arg4[%add3A_306, %dma_start3A_309] : memref<819200x128xf32, #tpu.memory_space<hbm>> -> memref<64x128xf32, #tpu.memory_space<hbm>>
      tpu.enqueue_dma source(%arg11 : memref<64x128xf32, #tpu.memory_space<vmem>>) target(%dma_start3A_310 : memref<64x128xf32, #tpu.memory_space<hbm>>) target_semaphore(%arg28 : memref<!tpu.dma_semaphore, #tpu.memory_space<semaphore_mem>>)
      %dma_wait3A_311 = arith.constant 0 : i32
      %dma_wait3A_312 = arith.constant 0 : i32
      %dma_wait3A_313 = tpu.memref_slice %arg5[%dma_wait3A_311, %dma_wait3A_312] : memref<400x64xi32, #tpu.memory_space<vmem>> -> memref<1x64xi32, #tpu.memory_space<vmem>>
      %dma_wait3A_314 = tpu.memref_squeeze %dma_wait3A_313 : memref<1x64xi32, #tpu.memory_space<vmem>> -> memref<64xi32, #tpu.memory_space<vmem>>
      %dma_wait3A_315 = arith.constant 0 : i32
      %dma_wait3A_316 = arith.constant 0 : i32
      %dma_wait3A_317 = tpu.memref_slice %arg14[%dma_wait3A_315, %dma_wait3A_316] : memref<512x128xf32, #tpu.memory_space<vmem_shared>> -> memref<512x128xf32, #tpu.memory_space<vmem_shared>>
      tpu.wait_indirect_dma semaphore(%arg21 : memref<!tpu.dma_semaphore, #tpu.memory_space<semaphore_mem>>) src(%dma_wait3A_317 : memref<512x128xf32, #tpu.memory_space<vmem_shared>>) dst(%arg12 : memref<64x128xf32, #tpu.memory_space<vmem>>)
      %mul3A_318 = arith.constant 8 : i32
      %mul3A_319 = arith.muli %scan3A_202, %mul3A_318 : i32
      %add3A_320 = arith.constant 6 : i32
      %add3A_321 = arith.addi %mul3A_319, %add3A_320 : i32
      %mul3A_322 = arith.constant 64 : i32
      %mul3A_323 = arith.muli %add3A_321, %mul3A_322 : i32
      %add3A_324 = arith.addi %mul3A_6, %mul3A_323 : i32
      %dma_start3A_325 = arith.constant 0 : i32
      %dma_start3A_326 = tpu.memref_slice %arg4[%add3A_324, %dma_start3A_325] : memref<819200x128xf32, #tpu.memory_space<hbm>> -> memref<64x128xf32, #tpu.memory_space<hbm>>
      %dma_start3A_327 = arith.constant 0 : i32
      %dma_start3A_328 = tpu.memref_slice %arg4[%add3A_324, %dma_start3A_327] : memref<819200x128xf32, #tpu.memory_space<hbm>> -> memref<64x128xf32, #tpu.memory_space<hbm>>
      tpu.enqueue_dma source(%arg12 : memref<64x128xf32, #tpu.memory_space<vmem>>) target(%dma_start3A_328 : memref<64x128xf32, #tpu.memory_space<hbm>>) target_semaphore(%arg29 : memref<!tpu.dma_semaphore, #tpu.memory_space<semaphore_mem>>)
      %dma_wait3A_329 = arith.constant 0 : i32
      %dma_wait3A_330 = arith.constant 0 : i32
      %dma_wait3A_331 = tpu.memref_slice %arg5[%dma_wait3A_329, %dma_wait3A_330] : memref<400x64xi32, #tpu.memory_space<vmem>> -> memref<1x64xi32, #tpu.memory_space<vmem>>
      %dma_wait3A_332 = tpu.memref_squeeze %dma_wait3A_331 : memref<1x64xi32, #tpu.memory_space<vmem>> -> memref<64xi32, #tpu.memory_space<vmem>>
      %dma_wait3A_333 = arith.constant 0 : i32
      %dma_wait3A_334 = arith.constant 0 : i32
      %dma_wait3A_335 = tpu.memref_slice %arg14[%dma_wait3A_333, %dma_wait3A_334] : memref<512x128xf32, #tpu.memory_space<vmem_shared>> -> memref<512x128xf32, #tpu.memory_space<vmem_shared>>
      tpu.wait_indirect_dma semaphore(%arg22 : memref<!tpu.dma_semaphore, #tpu.memory_space<semaphore_mem>>) src(%dma_wait3A_335 : memref<512x128xf32, #tpu.memory_space<vmem_shared>>) dst(%arg13 : memref<64x128xf32, #tpu.memory_space<vmem>>)
      %mul3A_336 = arith.constant 8 : i32
      %mul3A_337 = arith.muli %scan3A_202, %mul3A_336 : i32
      %add3A_338 = arith.constant 7 : i32
      %add3A_339 = arith.addi %mul3A_337, %add3A_338 : i32
      %mul3A_340 = arith.constant 64 : i32
      %mul3A_341 = arith.muli %add3A_339, %mul3A_340 : i32
      %add3A_342 = arith.addi %mul3A_6, %mul3A_341 : i32
      %dma_start3A_343 = arith.constant 0 : i32
      %dma_start3A_344 = tpu.memref_slice %arg4[%add3A_342, %dma_start3A_343] : memref<819200x128xf32, #tpu.memory_space<hbm>> -> memref<64x128xf32, #tpu.memory_space<hbm>>
      %dma_start3A_345 = arith.constant 0 : i32
      %dma_start3A_346 = tpu.memref_slice %arg4[%add3A_342, %dma_start3A_345] : memref<819200x128xf32, #tpu.memory_space<hbm>> -> memref<64x128xf32, #tpu.memory_space<hbm>>
      tpu.enqueue_dma source(%arg13 : memref<64x128xf32, #tpu.memory_space<vmem>>) target(%dma_start3A_346 : memref<64x128xf32, #tpu.memory_space<hbm>>) target_semaphore(%arg30 : memref<!tpu.dma_semaphore, #tpu.memory_space<semaphore_mem>>)
      %dma_wait3A_347 = arith.constant 0 : i32
      %dma_wait3A_348 = tpu.memref_slice %arg4[%mul3A_6, %dma_wait3A_347] : memref<819200x128xf32, #tpu.memory_space<hbm>> -> memref<64x128xf32, #tpu.memory_space<hbm>>
      %dma_wait3A_349 = arith.constant 0 : i32
      %dma_wait3A_350 = tpu.memref_slice %arg4[%mul3A_6, %dma_wait3A_349] : memref<819200x128xf32, #tpu.memory_space<hbm>> -> memref<64x128xf32, #tpu.memory_space<hbm>>
      tpu.wait_dma2 semaphore(%arg23 : memref<!tpu.dma_semaphore, #tpu.memory_space<semaphore_mem>>) src(%arg6 : memref<64x128xf32, #tpu.memory_space<vmem>>) dst(%dma_wait3A_350 : memref<64x128xf32, #tpu.memory_space<hbm>>)
      %add3A_351 = arith.constant 1 : i32
      %add3A_352 = arith.addi %scan3A_202, %add3A_351 : i32
      %mul3A_353 = arith.constant 8 : i32
      %mul3A_354 = arith.muli %add3A_352, %mul3A_353 : i32
      %add3A_355 = arith.constant 0 : i32
      %add3A_356 = arith.addi %mul3A_354, %add3A_355 : i32
      %dma_start3A_357 = arith.constant 0 : i32
      %dma_start3A_358 = tpu.memref_slice %arg5[%add3A_356, %dma_start3A_357] : memref<400x64xi32, #tpu.memory_space<vmem>> -> memref<1x64xi32, #tpu.memory_space<vmem>>
      %dma_start3A_359 = tpu.memref_squeeze %dma_start3A_358 : memref<1x64xi32, #tpu.memory_space<vmem>> -> memref<64xi32, #tpu.memory_space<vmem>>
      %dma_start3A_360 = arith.constant 0 : i32
      %dma_start3A_361 = arith.constant 0 : i32
      %dma_start3A_362 = tpu.memref_slice %arg14[%dma_start3A_360, %dma_start3A_361] : memref<512x128xf32, #tpu.memory_space<vmem_shared>> -> memref<512x128xf32, #tpu.memory_space<vmem_shared>>
      tpu.enqueue_indirect_dma source(%dma_start3A_362 : memref<512x128xf32, #tpu.memory_space<vmem_shared>>) target(%arg6 : memref<64x128xf32, #tpu.memory_space<vmem>>) offsets(%dma_start3A_359 : memref<64xi32, #tpu.memory_space<vmem>>) semaphore(%arg15 : memref<!tpu.dma_semaphore, #tpu.memory_space<semaphore_mem>>)
      %dma_wait3A_363 = arith.constant 0 : i32
      %dma_wait3A_364 = tpu.memref_slice %arg4[%mul3A_6, %dma_wait3A_363] : memref<819200x128xf32, #tpu.memory_space<hbm>> -> memref<64x128xf32, #tpu.memory_space<hbm>>
      %dma_wait3A_365 = arith.constant 0 : i32
      %dma_wait3A_366 = tpu.memref_slice %arg4[%mul3A_6, %dma_wait3A_365] : memref<819200x128xf32, #tpu.memory_space<hbm>> -> memref<64x128xf32, #tpu.memory_space<hbm>>
      tpu.wait_dma2 semaphore(%arg24 : memref<!tpu.dma_semaphore, #tpu.memory_space<semaphore_mem>>) src(%arg7 : memref<64x128xf32, #tpu.memory_space<vmem>>) dst(%dma_wait3A_366 : memref<64x128xf32, #tpu.memory_space<hbm>>)
      %add3A_367 = arith.constant 1 : i32
      %add3A_368 = arith.addi %scan3A_202, %add3A_367 : i32
      %mul3A_369 = arith.constant 8 : i32
      %mul3A_370 = arith.muli %add3A_368, %mul3A_369 : i32
      %add3A_371 = arith.constant 1 : i32
      %add3A_372 = arith.addi %mul3A_370, %add3A_371 : i32
      %dma_start3A_373 = arith.constant 0 : i32
      %dma_start3A_374 = tpu.memref_slice %arg5[%add3A_372, %dma_start3A_373] : memref<400x64xi32, #tpu.memory_space<vmem>> -> memref<1x64xi32, #tpu.memory_space<vmem>>
      %dma_start3A_375 = tpu.memref_squeeze %dma_start3A_374 : memref<1x64xi32, #tpu.memory_space<vmem>> -> memref<64xi32, #tpu.memory_space<vmem>>
      %dma_start3A_376 = arith.constant 0 : i32
      %dma_start3A_377 = arith.constant 0 : i32
      %dma_start3A_378 = tpu.memref_slice %arg14[%dma_start3A_376, %dma_start3A_377] : memref<512x128xf32, #tpu.memory_space<vmem_shared>> -> memref<512x128xf32, #tpu.memory_space<vmem_shared>>
      tpu.enqueue_indirect_dma source(%dma_start3A_378 : memref<512x128xf32, #tpu.memory_space<vmem_shared>>) target(%arg7 : memref<64x128xf32, #tpu.memory_space<vmem>>) offsets(%dma_start3A_375 : memref<64xi32, #tpu.memory_space<vmem>>) semaphore(%arg16 : memref<!tpu.dma_semaphore, #tpu.memory_space<semaphore_mem>>)
      %dma_wait3A_379 = arith.constant 0 : i32
      %dma_wait3A_380 = tpu.memref_slice %arg4[%mul3A_6, %dma_wait3A_379] : memref<819200x128xf32, #tpu.memory_space<hbm>> -> memref<64x128xf32, #tpu.memory_space<hbm>>
      %dma_wait3A_381 = arith.constant 0 : i32
      %dma_wait3A_382 = tpu.memref_slice %arg4[%mul3A_6, %dma_wait3A_381] : memref<819200x128xf32, #tpu.memory_space<hbm>> -> memref<64x128xf32, #tpu.memory_space<hbm>>
      tpu.wait_dma2 semaphore(%arg25 : memref<!tpu.dma_semaphore, #tpu.memory_space<semaphore_mem>>) src(%arg8 : memref<64x128xf32, #tpu.memory_space<vmem>>) dst(%dma_wait3A_382 : memref<64x128xf32, #tpu.memory_space<hbm>>)
      %add3A_383 = arith.constant 1 : i32
      %add3A_384 = arith.addi %scan3A_202, %add3A_383 : i32
      %mul3A_385 = arith.constant 8 : i32
      %mul3A_386 = arith.muli %add3A_384, %mul3A_385 : i32
      %add3A_387 = arith.constant 2 : i32
      %add3A_388 = arith.addi %mul3A_386, %add3A_387 : i32
      %dma_start3A_389 = arith.constant 0 : i32
      %dma_start3A_390 = tpu.memref_slice %arg5[%add3A_388, %dma_start3A_389] : memref<400x64xi32, #tpu.memory_space<vmem>> -> memref<1x64xi32, #tpu.memory_space<vmem>>
      %dma_start3A_391 = tpu.memref_squeeze %dma_start3A_390 : memref<1x64xi32, #tpu.memory_space<vmem>> -> memref<64xi32, #tpu.memory_space<vmem>>
      %dma_start3A_392 = arith.constant 0 : i32
      %dma_start3A_393 = arith.constant 0 : i32
      %dma_start3A_394 = tpu.memref_slice %arg14[%dma_start3A_392, %dma_start3A_393] : memref<512x128xf32, #tpu.memory_space<vmem_shared>> -> memref<512x128xf32, #tpu.memory_space<vmem_shared>>
      tpu.enqueue_indirect_dma source(%dma_start3A_394 : memref<512x128xf32, #tpu.memory_space<vmem_shared>>) target(%arg8 : memref<64x128xf32, #tpu.memory_space<vmem>>) offsets(%dma_start3A_391 : memref<64xi32, #tpu.memory_space<vmem>>) semaphore(%arg17 : memref<!tpu.dma_semaphore, #tpu.memory_space<semaphore_mem>>)
      %dma_wait3A_395 = arith.constant 0 : i32
      %dma_wait3A_396 = tpu.memref_slice %arg4[%mul3A_6, %dma_wait3A_395] : memref<819200x128xf32, #tpu.memory_space<hbm>> -> memref<64x128xf32, #tpu.memory_space<hbm>>
      %dma_wait3A_397 = arith.constant 0 : i32
      %dma_wait3A_398 = tpu.memref_slice %arg4[%mul3A_6, %dma_wait3A_397] : memref<819200x128xf32, #tpu.memory_space<hbm>> -> memref<64x128xf32, #tpu.memory_space<hbm>>
      tpu.wait_dma2 semaphore(%arg26 : memref<!tpu.dma_semaphore, #tpu.memory_space<semaphore_mem>>) src(%arg9 : memref<64x128xf32, #tpu.memory_space<vmem>>) dst(%dma_wait3A_398 : memref<64x128xf32, #tpu.memory_space<hbm>>)
      %add3A_399 = arith.constant 1 : i32
      %add3A_400 = arith.addi %scan3A_202, %add3A_399 : i32
      %mul3A_401 = arith.constant 8 : i32
      %mul3A_402 = arith.muli %add3A_400, %mul3A_401 : i32
      %add3A_403 = arith.constant 3 : i32
      %add3A_404 = arith.addi %mul3A_402, %add3A_403 : i32
      %dma_start3A_405 = arith.constant 0 : i32
      %dma_start3A_406 = tpu.memref_slice %arg5[%add3A_404, %dma_start3A_405] : memref<400x64xi32, #tpu.memory_space<vmem>> -> memref<1x64xi32, #tpu.memory_space<vmem>>
      %dma_start3A_407 = tpu.memref_squeeze %dma_start3A_406 : memref<1x64xi32, #tpu.memory_space<vmem>> -> memref<64xi32, #tpu.memory_space<vmem>>
      %dma_start3A_408 = arith.constant 0 : i32
      %dma_start3A_409 = arith.constant 0 : i32
      %dma_start3A_410 = tpu.memref_slice %arg14[%dma_start3A_408, %dma_start3A_409] : memref<512x128xf32, #tpu.memory_space<vmem_shared>> -> memref<512x128xf32, #tpu.memory_space<vmem_shared>>
      tpu.enqueue_indirect_dma source(%dma_start3A_410 : memref<512x128xf32, #tpu.memory_space<vmem_shared>>) target(%arg9 : memref<64x128xf32, #tpu.memory_space<vmem>>) offsets(%dma_start3A_407 : memref<64xi32, #tpu.memory_space<vmem>>) semaphore(%arg18 : memref<!tpu.dma_semaphore, #tpu.memory_space<semaphore_mem>>)
      %dma_wait3A_411 = arith.constant 0 : i32
      %dma_wait3A_412 = tpu.memref_slice %arg4[%mul3A_6, %dma_wait3A_411] : memref<819200x128xf32, #tpu.memory_space<hbm>> -> memref<64x128xf32, #tpu.memory_space<hbm>>
      %dma_wait3A_413 = arith.constant 0 : i32
      %dma_wait3A_414 = tpu.memref_slice %arg4[%mul3A_6, %dma_wait3A_413] : memref<819200x128xf32, #tpu.memory_space<hbm>> -> memref<64x128xf32, #tpu.memory_space<hbm>>
      tpu.wait_dma2 semaphore(%arg27 : memref<!tpu.dma_semaphore, #tpu.memory_space<semaphore_mem>>) src(%arg10 : memref<64x128xf32, #tpu.memory_space<vmem>>) dst(%dma_wait3A_414 : memref<64x128xf32, #tpu.memory_space<hbm>>)
      %add3A_415 = arith.constant 1 : i32
      %add3A_416 = arith.addi %scan3A_202, %add3A_415 : i32
      %mul3A_417 = arith.constant 8 : i32
      %mul3A_418 = arith.muli %add3A_416, %mul3A_417 : i32
      %add3A_419 = arith.constant 4 : i32
      %add3A_420 = arith.addi %mul3A_418, %add3A_419 : i32
      %dma_start3A_421 = arith.constant 0 : i32
      %dma_start3A_422 = tpu.memref_slice %arg5[%add3A_420, %dma_start3A_421] : memref<400x64xi32, #tpu.memory_space<vmem>> -> memref<1x64xi32, #tpu.memory_space<vmem>>
      %dma_start3A_423 = tpu.memref_squeeze %dma_start3A_422 : memref<1x64xi32, #tpu.memory_space<vmem>> -> memref<64xi32, #tpu.memory_space<vmem>>
      %dma_start3A_424 = arith.constant 0 : i32
      %dma_start3A_425 = arith.constant 0 : i32
      %dma_start3A_426 = tpu.memref_slice %arg14[%dma_start3A_424, %dma_start3A_425] : memref<512x128xf32, #tpu.memory_space<vmem_shared>> -> memref<512x128xf32, #tpu.memory_space<vmem_shared>>
      tpu.enqueue_indirect_dma source(%dma_start3A_426 : memref<512x128xf32, #tpu.memory_space<vmem_shared>>) target(%arg10 : memref<64x128xf32, #tpu.memory_space<vmem>>) offsets(%dma_start3A_423 : memref<64xi32, #tpu.memory_space<vmem>>) semaphore(%arg19 : memref<!tpu.dma_semaphore, #tpu.memory_space<semaphore_mem>>)
      %dma_wait3A_427 = arith.constant 0 : i32
      %dma_wait3A_428 = tpu.memref_slice %arg4[%mul3A_6, %dma_wait3A_427] : memref<819200x128xf32, #tpu.memory_space<hbm>> -> memref<64x128xf32, #tpu.memory_space<hbm>>
      %dma_wait3A_429 = arith.constant 0 : i32
      %dma_wait3A_430 = tpu.memref_slice %arg4[%mul3A_6, %dma_wait3A_429] : memref<819200x128xf32, #tpu.memory_space<hbm>> -> memref<64x128xf32, #tpu.memory_space<hbm>>
      tpu.wait_dma2 semaphore(%arg28 : memref<!tpu.dma_semaphore, #tpu.memory_space<semaphore_mem>>) src(%arg11 : memref<64x128xf32, #tpu.memory_space<vmem>>) dst(%dma_wait3A_430 : memref<64x128xf32, #tpu.memory_space<hbm>>)
      %add3A_431 = arith.constant 1 : i32
      %add3A_432 = arith.addi %scan3A_202, %add3A_431 : i32
      %mul3A_433 = arith.constant 8 : i32
      %mul3A_434 = arith.muli %add3A_432, %mul3A_433 : i32
      %add3A_435 = arith.constant 5 : i32
      %add3A_436 = arith.addi %mul3A_434, %add3A_435 : i32
      %dma_start3A_437 = arith.constant 0 : i32
      %dma_start3A_438 = tpu.memref_slice %arg5[%add3A_436, %dma_start3A_437] : memref<400x64xi32, #tpu.memory_space<vmem>> -> memref<1x64xi32, #tpu.memory_space<vmem>>
      %dma_start3A_439 = tpu.memref_squeeze %dma_start3A_438 : memref<1x64xi32, #tpu.memory_space<vmem>> -> memref<64xi32, #tpu.memory_space<vmem>>
      %dma_start3A_440 = arith.constant 0 : i32
      %dma_start3A_441 = arith.constant 0 : i32
      %dma_start3A_442 = tpu.memref_slice %arg14[%dma_start3A_440, %dma_start3A_441] : memref<512x128xf32, #tpu.memory_space<vmem_shared>> -> memref<512x128xf32, #tpu.memory_space<vmem_shared>>
      tpu.enqueue_indirect_dma source(%dma_start3A_442 : memref<512x128xf32, #tpu.memory_space<vmem_shared>>) target(%arg11 : memref<64x128xf32, #tpu.memory_space<vmem>>) offsets(%dma_start3A_439 : memref<64xi32, #tpu.memory_space<vmem>>) semaphore(%arg20 : memref<!tpu.dma_semaphore, #tpu.memory_space<semaphore_mem>>)
      %dma_wait3A_443 = arith.constant 0 : i32
      %dma_wait3A_444 = tpu.memref_slice %arg4[%mul3A_6, %dma_wait3A_443] : memref<819200x128xf32, #tpu.memory_space<hbm>> -> memref<64x128xf32, #tpu.memory_space<hbm>>
      %dma_wait3A_445 = arith.constant 0 : i32
      %dma_wait3A_446 = tpu.memref_slice %arg4[%mul3A_6, %dma_wait3A_445] : memref<819200x128xf32, #tpu.memory_space<hbm>> -> memref<64x128xf32, #tpu.memory_space<hbm>>
      tpu.wait_dma2 semaphore(%arg29 : memref<!tpu.dma_semaphore, #tpu.memory_space<semaphore_mem>>) src(%arg12 : memref<64x128xf32, #tpu.memory_space<vmem>>) dst(%dma_wait3A_446 : memref<64x128xf32, #tpu.memory_space<hbm>>)
      %add3A_447 = arith.constant 1 : i32
      %add3A_448 = arith.addi %scan3A_202, %add3A_447 : i32
      %mul3A_449 = arith.constant 8 : i32
      %mul3A_450 = arith.muli %add3A_448, %mul3A_449 : i32
      %add3A_451 = arith.constant 6 : i32
      %add3A_452 = arith.addi %mul3A_450, %add3A_451 : i32
      %dma_start3A_453 = arith.constant 0 : i32
      %dma_start3A_454 = tpu.memref_slice %arg5[%add3A_452, %dma_start3A_453] : memref<400x64xi32, #tpu.memory_space<vmem>> -> memref<1x64xi32, #tpu.memory_space<vmem>>
      %dma_start3A_455 = tpu.memref_squeeze %dma_start3A_454 : memref<1x64xi32, #tpu.memory_space<vmem>> -> memref<64xi32, #tpu.memory_space<vmem>>
      %dma_start3A_456 = arith.constant 0 : i32
      %dma_start3A_457 = arith.constant 0 : i32
      %dma_start3A_458 = tpu.memref_slice %arg14[%dma_start3A_456, %dma_start3A_457] : memref<512x128xf32, #tpu.memory_space<vmem_shared>> -> memref<512x128xf32, #tpu.memory_space<vmem_shared>>
      tpu.enqueue_indirect_dma source(%dma_start3A_458 : memref<512x128xf32, #tpu.memory_space<vmem_shared>>) target(%arg12 : memref<64x128xf32, #tpu.memory_space<vmem>>) offsets(%dma_start3A_455 : memref<64xi32, #tpu.memory_space<vmem>>) semaphore(%arg21 : memref<!tpu.dma_semaphore, #tpu.memory_space<semaphore_mem>>)
      %dma_wait3A_459 = arith.constant 0 : i32
      %dma_wait3A_460 = tpu.memref_slice %arg4[%mul3A_6, %dma_wait3A_459] : memref<819200x128xf32, #tpu.memory_space<hbm>> -> memref<64x128xf32, #tpu.memory_space<hbm>>
      %dma_wait3A_461 = arith.constant 0 : i32
      %dma_wait3A_462 = tpu.memref_slice %arg4[%mul3A_6, %dma_wait3A_461] : memref<819200x128xf32, #tpu.memory_space<hbm>> -> memref<64x128xf32, #tpu.memory_space<hbm>>
      tpu.wait_dma2 semaphore(%arg30 : memref<!tpu.dma_semaphore, #tpu.memory_space<semaphore_mem>>) src(%arg13 : memref<64x128xf32, #tpu.memory_space<vmem>>) dst(%dma_wait3A_462 : memref<64x128xf32, #tpu.memory_space<hbm>>)
      %add3A_463 = arith.constant 1 : i32
      %add3A_464 = arith.addi %scan3A_202, %add3A_463 : i32
      %mul3A_465 = arith.constant 8 : i32
      %mul3A_466 = arith.muli %add3A_464, %mul3A_465 : i32
      %add3A_467 = arith.constant 7 : i32
      %add3A_468 = arith.addi %mul3A_466, %add3A_467 : i32
      %dma_start3A_469 = arith.constant 0 : i32
      %dma_start3A_470 = tpu.memref_slice %arg5[%add3A_468, %dma_start3A_469] : memref<400x64xi32, #tpu.memory_space<vmem>> -> memref<1x64xi32, #tpu.memory_space<vmem>>
      %dma_start3A_471 = tpu.memref_squeeze %dma_start3A_470 : memref<1x64xi32, #tpu.memory_space<vmem>> -> memref<64xi32, #tpu.memory_space<vmem>>
      %dma_start3A_472 = arith.constant 0 : i32
      %dma_start3A_473 = arith.constant 0 : i32
      %dma_start3A_474 = tpu.memref_slice %arg14[%dma_start3A_472, %dma_start3A_473] : memref<512x128xf32, #tpu.memory_space<vmem_shared>> -> memref<512x128xf32, #tpu.memory_space<vmem_shared>>
      tpu.enqueue_indirect_dma source(%dma_start3A_474 : memref<512x128xf32, #tpu.memory_space<vmem_shared>>) target(%arg13 : memref<64x128xf32, #tpu.memory_space<vmem>>) offsets(%dma_start3A_471 : memref<64xi32, #tpu.memory_space<vmem>>) semaphore(%arg22 : memref<!tpu.dma_semaphore, #tpu.memory_space<semaphore_mem>>)
    }
    %scan3A_66 = arith.constant 49 : i32
    %dma_wait3A = arith.constant 0 : i32
    %dma_wait3A_67 = arith.constant 0 : i32
    %dma_wait3A_68 = tpu.memref_slice %arg5[%dma_wait3A, %dma_wait3A_67] : memref<400x64xi32, #tpu.memory_space<vmem>> -> memref<1x64xi32, #tpu.memory_space<vmem>>
    %dma_wait3A_69 = tpu.memref_squeeze %dma_wait3A_68 : memref<1x64xi32, #tpu.memory_space<vmem>> -> memref<64xi32, #tpu.memory_space<vmem>>
    %dma_wait3A_70 = arith.constant 0 : i32
    %dma_wait3A_71 = arith.constant 0 : i32
    %dma_wait3A_72 = tpu.memref_slice %arg14[%dma_wait3A_70, %dma_wait3A_71] : memref<512x128xf32, #tpu.memory_space<vmem_shared>> -> memref<512x128xf32, #tpu.memory_space<vmem_shared>>
    tpu.wait_indirect_dma semaphore(%arg15 : memref<!tpu.dma_semaphore, #tpu.memory_space<semaphore_mem>>) src(%dma_wait3A_72 : memref<512x128xf32, #tpu.memory_space<vmem_shared>>) dst(%arg6 : memref<64x128xf32, #tpu.memory_space<vmem>>)
    %add3A_73 = arith.constant 25088 : i32
    %add3A_74 = arith.addi %mul3A_6, %add3A_73 : i32
    %dma_start3A_75 = arith.constant 0 : i32
    %dma_start3A_76 = tpu.memref_slice %arg4[%add3A_74, %dma_start3A_75] : memref<819200x128xf32, #tpu.memory_space<hbm>> -> memref<64x128xf32, #tpu.memory_space<hbm>>
    %dma_start3A_77 = arith.constant 0 : i32
    %dma_start3A_78 = tpu.memref_slice %arg4[%add3A_74, %dma_start3A_77] : memref<819200x128xf32, #tpu.memory_space<hbm>> -> memref<64x128xf32, #tpu.memory_space<hbm>>
    tpu.enqueue_dma source(%arg6 : memref<64x128xf32, #tpu.memory_space<vmem>>) target(%dma_start3A_78 : memref<64x128xf32, #tpu.memory_space<hbm>>) target_semaphore(%arg23 : memref<!tpu.dma_semaphore, #tpu.memory_space<semaphore_mem>>)
    %dma_wait3A_79 = arith.constant 0 : i32
    %dma_wait3A_80 = arith.constant 0 : i32
    %dma_wait3A_81 = tpu.memref_slice %arg5[%dma_wait3A_79, %dma_wait3A_80] : memref<400x64xi32, #tpu.memory_space<vmem>> -> memref<1x64xi32, #tpu.memory_space<vmem>>
    %dma_wait3A_82 = tpu.memref_squeeze %dma_wait3A_81 : memref<1x64xi32, #tpu.memory_space<vmem>> -> memref<64xi32, #tpu.memory_space<vmem>>
    %dma_wait3A_83 = arith.constant 0 : i32
    %dma_wait3A_84 = arith.constant 0 : i32
    %dma_wait3A_85 = tpu.memref_slice %arg14[%dma_wait3A_83, %dma_wait3A_84] : memref<512x128xf32, #tpu.memory_space<vmem_shared>> -> memref<512x128xf32, #tpu.memory_space<vmem_shared>>
    tpu.wait_indirect_dma semaphore(%arg16 : memref<!tpu.dma_semaphore, #tpu.memory_space<semaphore_mem>>) src(%dma_wait3A_85 : memref<512x128xf32, #tpu.memory_space<vmem_shared>>) dst(%arg7 : memref<64x128xf32, #tpu.memory_space<vmem>>)
    %add3A_86 = arith.constant 25152 : i32
    %add3A_87 = arith.addi %mul3A_6, %add3A_86 : i32
    %dma_start3A_88 = arith.constant 0 : i32
    %dma_start3A_89 = tpu.memref_slice %arg4[%add3A_87, %dma_start3A_88] : memref<819200x128xf32, #tpu.memory_space<hbm>> -> memref<64x128xf32, #tpu.memory_space<hbm>>
    %dma_start3A_90 = arith.constant 0 : i32
    %dma_start3A_91 = tpu.memref_slice %arg4[%add3A_87, %dma_start3A_90] : memref<819200x128xf32, #tpu.memory_space<hbm>> -> memref<64x128xf32, #tpu.memory_space<hbm>>
    tpu.enqueue_dma source(%arg7 : memref<64x128xf32, #tpu.memory_space<vmem>>) target(%dma_start3A_91 : memref<64x128xf32, #tpu.memory_space<hbm>>) target_semaphore(%arg24 : memref<!tpu.dma_semaphore, #tpu.memory_space<semaphore_mem>>)
    %dma_wait3A_92 = arith.constant 0 : i32
    %dma_wait3A_93 = arith.constant 0 : i32
    %dma_wait3A_94 = tpu.memref_slice %arg5[%dma_wait3A_92, %dma_wait3A_93] : memref<400x64xi32, #tpu.memory_space<vmem>> -> memref<1x64xi32, #tpu.memory_space<vmem>>
    %dma_wait3A_95 = tpu.memref_squeeze %dma_wait3A_94 : memref<1x64xi32, #tpu.memory_space<vmem>> -> memref<64xi32, #tpu.memory_space<vmem>>
    %dma_wait3A_96 = arith.constant 0 : i32
    %dma_wait3A_97 = arith.constant 0 : i32
    %dma_wait3A_98 = tpu.memref_slice %arg14[%dma_wait3A_96, %dma_wait3A_97] : memref<512x128xf32, #tpu.memory_space<vmem_shared>> -> memref<512x128xf32, #tpu.memory_space<vmem_shared>>
    tpu.wait_indirect_dma semaphore(%arg17 : memref<!tpu.dma_semaphore, #tpu.memory_space<semaphore_mem>>) src(%dma_wait3A_98 : memref<512x128xf32, #tpu.memory_space<vmem_shared>>) dst(%arg8 : memref<64x128xf32, #tpu.memory_space<vmem>>)
    %add3A_99 = arith.constant 25216 : i32
    %add3A_100 = arith.addi %mul3A_6, %add3A_99 : i32
    %dma_start3A_101 = arith.constant 0 : i32
    %dma_start3A_102 = tpu.memref_slice %arg4[%add3A_100, %dma_start3A_101] : memref<819200x128xf32, #tpu.memory_space<hbm>> -> memref<64x128xf32, #tpu.memory_space<hbm>>
    %dma_start3A_103 = arith.constant 0 : i32
    %dma_start3A_104 = tpu.memref_slice %arg4[%add3A_100, %dma_start3A_103] : memref<819200x128xf32, #tpu.memory_space<hbm>> -> memref<64x128xf32, #tpu.memory_space<hbm>>
    tpu.enqueue_dma source(%arg8 : memref<64x128xf32, #tpu.memory_space<vmem>>) target(%dma_start3A_104 : memref<64x128xf32, #tpu.memory_space<hbm>>) target_semaphore(%arg25 : memref<!tpu.dma_semaphore, #tpu.memory_space<semaphore_mem>>)
    %dma_wait3A_105 = arith.constant 0 : i32
    %dma_wait3A_106 = arith.constant 0 : i32
    %dma_wait3A_107 = tpu.memref_slice %arg5[%dma_wait3A_105, %dma_wait3A_106] : memref<400x64xi32, #tpu.memory_space<vmem>> -> memref<1x64xi32, #tpu.memory_space<vmem>>
    %dma_wait3A_108 = tpu.memref_squeeze %dma_wait3A_107 : memref<1x64xi32, #tpu.memory_space<vmem>> -> memref<64xi32, #tpu.memory_space<vmem>>
    %dma_wait3A_109 = arith.constant 0 : i32
    %dma_wait3A_110 = arith.constant 0 : i32
    %dma_wait3A_111 = tpu.memref_slice %arg14[%dma_wait3A_109, %dma_wait3A_110] : memref<512x128xf32, #tpu.memory_space<vmem_shared>> -> memref<512x128xf32, #tpu.memory_space<vmem_shared>>
    tpu.wait_indirect_dma semaphore(%arg18 : memref<!tpu.dma_semaphore, #tpu.memory_space<semaphore_mem>>) src(%dma_wait3A_111 : memref<512x128xf32, #tpu.memory_space<vmem_shared>>) dst(%arg9 : memref<64x128xf32, #tpu.memory_space<vmem>>)
    %add3A_112 = arith.constant 25280 : i32
    %add3A_113 = arith.addi %mul3A_6, %add3A_112 : i32
    %dma_start3A_114 = arith.constant 0 : i32
    %dma_start3A_115 = tpu.memref_slice %arg4[%add3A_113, %dma_start3A_114] : memref<819200x128xf32, #tpu.memory_space<hbm>> -> memref<64x128xf32, #tpu.memory_space<hbm>>
    %dma_start3A_116 = arith.constant 0 : i32
    %dma_start3A_117 = tpu.memref_slice %arg4[%add3A_113, %dma_start3A_116] : memref<819200x128xf32, #tpu.memory_space<hbm>> -> memref<64x128xf32, #tpu.memory_space<hbm>>
    tpu.enqueue_dma source(%arg9 : memref<64x128xf32, #tpu.memory_space<vmem>>) target(%dma_start3A_117 : memref<64x128xf32, #tpu.memory_space<hbm>>) target_semaphore(%arg26 : memref<!tpu.dma_semaphore, #tpu.memory_space<semaphore_mem>>)
    %dma_wait3A_118 = arith.constant 0 : i32
    %dma_wait3A_119 = arith.constant 0 : i32
    %dma_wait3A_120 = tpu.memref_slice %arg5[%dma_wait3A_118, %dma_wait3A_119] : memref<400x64xi32, #tpu.memory_space<vmem>> -> memref<1x64xi32, #tpu.memory_space<vmem>>
    %dma_wait3A_121 = tpu.memref_squeeze %dma_wait3A_120 : memref<1x64xi32, #tpu.memory_space<vmem>> -> memref<64xi32, #tpu.memory_space<vmem>>
    %dma_wait3A_122 = arith.constant 0 : i32
    %dma_wait3A_123 = arith.constant 0 : i32
    %dma_wait3A_124 = tpu.memref_slice %arg14[%dma_wait3A_122, %dma_wait3A_123] : memref<512x128xf32, #tpu.memory_space<vmem_shared>> -> memref<512x128xf32, #tpu.memory_space<vmem_shared>>
    tpu.wait_indirect_dma semaphore(%arg19 : memref<!tpu.dma_semaphore, #tpu.memory_space<semaphore_mem>>) src(%dma_wait3A_124 : memref<512x128xf32, #tpu.memory_space<vmem_shared>>) dst(%arg10 : memref<64x128xf32, #tpu.memory_space<vmem>>)
    %add3A_125 = arith.constant 25344 : i32
    %add3A_126 = arith.addi %mul3A_6, %add3A_125 : i32
    %dma_start3A_127 = arith.constant 0 : i32
    %dma_start3A_128 = tpu.memref_slice %arg4[%add3A_126, %dma_start3A_127] : memref<819200x128xf32, #tpu.memory_space<hbm>> -> memref<64x128xf32, #tpu.memory_space<hbm>>
    %dma_start3A_129 = arith.constant 0 : i32
    %dma_start3A_130 = tpu.memref_slice %arg4[%add3A_126, %dma_start3A_129] : memref<819200x128xf32, #tpu.memory_space<hbm>> -> memref<64x128xf32, #tpu.memory_space<hbm>>
    tpu.enqueue_dma source(%arg10 : memref<64x128xf32, #tpu.memory_space<vmem>>) target(%dma_start3A_130 : memref<64x128xf32, #tpu.memory_space<hbm>>) target_semaphore(%arg27 : memref<!tpu.dma_semaphore, #tpu.memory_space<semaphore_mem>>)
    %dma_wait3A_131 = arith.constant 0 : i32
    %dma_wait3A_132 = arith.constant 0 : i32
    %dma_wait3A_133 = tpu.memref_slice %arg5[%dma_wait3A_131, %dma_wait3A_132] : memref<400x64xi32, #tpu.memory_space<vmem>> -> memref<1x64xi32, #tpu.memory_space<vmem>>
    %dma_wait3A_134 = tpu.memref_squeeze %dma_wait3A_133 : memref<1x64xi32, #tpu.memory_space<vmem>> -> memref<64xi32, #tpu.memory_space<vmem>>
    %dma_wait3A_135 = arith.constant 0 : i32
    %dma_wait3A_136 = arith.constant 0 : i32
    %dma_wait3A_137 = tpu.memref_slice %arg14[%dma_wait3A_135, %dma_wait3A_136] : memref<512x128xf32, #tpu.memory_space<vmem_shared>> -> memref<512x128xf32, #tpu.memory_space<vmem_shared>>
    tpu.wait_indirect_dma semaphore(%arg20 : memref<!tpu.dma_semaphore, #tpu.memory_space<semaphore_mem>>) src(%dma_wait3A_137 : memref<512x128xf32, #tpu.memory_space<vmem_shared>>) dst(%arg11 : memref<64x128xf32, #tpu.memory_space<vmem>>)
    %add3A_138 = arith.constant 25408 : i32
    %add3A_139 = arith.addi %mul3A_6, %add3A_138 : i32
    %dma_start3A_140 = arith.constant 0 : i32
    %dma_start3A_141 = tpu.memref_slice %arg4[%add3A_139, %dma_start3A_140] : memref<819200x128xf32, #tpu.memory_space<hbm>> -> memref<64x128xf32, #tpu.memory_space<hbm>>
    %dma_start3A_142 = arith.constant 0 : i32
    %dma_start3A_143 = tpu.memref_slice %arg4[%add3A_139, %dma_start3A_142] : memref<819200x128xf32, #tpu.memory_space<hbm>> -> memref<64x128xf32, #tpu.memory_space<hbm>>
    tpu.enqueue_dma source(%arg11 : memref<64x128xf32, #tpu.memory_space<vmem>>) target(%dma_start3A_143 : memref<64x128xf32, #tpu.memory_space<hbm>>) target_semaphore(%arg28 : memref<!tpu.dma_semaphore, #tpu.memory_space<semaphore_mem>>)
    %dma_wait3A_144 = arith.constant 0 : i32
    %dma_wait3A_145 = arith.constant 0 : i32
    %dma_wait3A_146 = tpu.memref_slice %arg5[%dma_wait3A_144, %dma_wait3A_145] : memref<400x64xi32, #tpu.memory_space<vmem>> -> memref<1x64xi32, #tpu.memory_space<vmem>>
    %dma_wait3A_147 = tpu.memref_squeeze %dma_wait3A_146 : memref<1x64xi32, #tpu.memory_space<vmem>> -> memref<64xi32, #tpu.memory_space<vmem>>
    %dma_wait3A_148 = arith.constant 0 : i32
    %dma_wait3A_149 = arith.constant 0 : i32
    %dma_wait3A_150 = tpu.memref_slice %arg14[%dma_wait3A_148, %dma_wait3A_149] : memref<512x128xf32, #tpu.memory_space<vmem_shared>> -> memref<512x128xf32, #tpu.memory_space<vmem_shared>>
    tpu.wait_indirect_dma semaphore(%arg21 : memref<!tpu.dma_semaphore, #tpu.memory_space<semaphore_mem>>) src(%dma_wait3A_150 : memref<512x128xf32, #tpu.memory_space<vmem_shared>>) dst(%arg12 : memref<64x128xf32, #tpu.memory_space<vmem>>)
    %add3A_151 = arith.constant 25472 : i32
    %add3A_152 = arith.addi %mul3A_6, %add3A_151 : i32
    %dma_start3A_153 = arith.constant 0 : i32
    %dma_start3A_154 = tpu.memref_slice %arg4[%add3A_152, %dma_start3A_153] : memref<819200x128xf32, #tpu.memory_space<hbm>> -> memref<64x128xf32, #tpu.memory_space<hbm>>
    %dma_start3A_155 = arith.constant 0 : i32
    %dma_start3A_156 = tpu.memref_slice %arg4[%add3A_152, %dma_start3A_155] : memref<819200x128xf32, #tpu.memory_space<hbm>> -> memref<64x128xf32, #tpu.memory_space<hbm>>
    tpu.enqueue_dma source(%arg12 : memref<64x128xf32, #tpu.memory_space<vmem>>) target(%dma_start3A_156 : memref<64x128xf32, #tpu.memory_space<hbm>>) target_semaphore(%arg29 : memref<!tpu.dma_semaphore, #tpu.memory_space<semaphore_mem>>)
    %dma_wait3A_157 = arith.constant 0 : i32
    %dma_wait3A_158 = arith.constant 0 : i32
    %dma_wait3A_159 = tpu.memref_slice %arg5[%dma_wait3A_157, %dma_wait3A_158] : memref<400x64xi32, #tpu.memory_space<vmem>> -> memref<1x64xi32, #tpu.memory_space<vmem>>
    %dma_wait3A_160 = tpu.memref_squeeze %dma_wait3A_159 : memref<1x64xi32, #tpu.memory_space<vmem>> -> memref<64xi32, #tpu.memory_space<vmem>>
    %dma_wait3A_161 = arith.constant 0 : i32
    %dma_wait3A_162 = arith.constant 0 : i32
    %dma_wait3A_163 = tpu.memref_slice %arg14[%dma_wait3A_161, %dma_wait3A_162] : memref<512x128xf32, #tpu.memory_space<vmem_shared>> -> memref<512x128xf32, #tpu.memory_space<vmem_shared>>
    tpu.wait_indirect_dma semaphore(%arg22 : memref<!tpu.dma_semaphore, #tpu.memory_space<semaphore_mem>>) src(%dma_wait3A_163 : memref<512x128xf32, #tpu.memory_space<vmem_shared>>) dst(%arg13 : memref<64x128xf32, #tpu.memory_space<vmem>>)
    %add3A_164 = arith.constant 25536 : i32
    %add3A_165 = arith.addi %mul3A_6, %add3A_164 : i32
    %dma_start3A_166 = arith.constant 0 : i32
    %dma_start3A_167 = tpu.memref_slice %arg4[%add3A_165, %dma_start3A_166] : memref<819200x128xf32, #tpu.memory_space<hbm>> -> memref<64x128xf32, #tpu.memory_space<hbm>>
    %dma_start3A_168 = arith.constant 0 : i32
    %dma_start3A_169 = tpu.memref_slice %arg4[%add3A_165, %dma_start3A_168] : memref<819200x128xf32, #tpu.memory_space<hbm>> -> memref<64x128xf32, #tpu.memory_space<hbm>>
    tpu.enqueue_dma source(%arg13 : memref<64x128xf32, #tpu.memory_space<vmem>>) target(%dma_start3A_169 : memref<64x128xf32, #tpu.memory_space<hbm>>) target_semaphore(%arg30 : memref<!tpu.dma_semaphore, #tpu.memory_space<semaphore_mem>>)
    %dma_wait3A_170 = arith.constant 0 : i32
    %dma_wait3A_171 = tpu.memref_slice %arg4[%mul3A_6, %dma_wait3A_170] : memref<819200x128xf32, #tpu.memory_space<hbm>> -> memref<64x128xf32, #tpu.memory_space<hbm>>
    %dma_wait3A_172 = arith.constant 0 : i32
    %dma_wait3A_173 = tpu.memref_slice %arg4[%mul3A_6, %dma_wait3A_172] : memref<819200x128xf32, #tpu.memory_space<hbm>> -> memref<64x128xf32, #tpu.memory_space<hbm>>
    tpu.wait_dma2 semaphore(%arg23 : memref<!tpu.dma_semaphore, #tpu.memory_space<semaphore_mem>>) src(%arg6 : memref<64x128xf32, #tpu.memory_space<vmem>>) dst(%dma_wait3A_173 : memref<64x128xf32, #tpu.memory_space<hbm>>)
    %dma_wait3A_174 = arith.constant 0 : i32
    %dma_wait3A_175 = tpu.memref_slice %arg4[%mul3A_6, %dma_wait3A_174] : memref<819200x128xf32, #tpu.memory_space<hbm>> -> memref<64x128xf32, #tpu.memory_space<hbm>>
    %dma_wait3A_176 = arith.constant 0 : i32
    %dma_wait3A_177 = tpu.memref_slice %arg4[%mul3A_6, %dma_wait3A_176] : memref<819200x128xf32, #tpu.memory_space<hbm>> -> memref<64x128xf32, #tpu.memory_space<hbm>>
    tpu.wait_dma2 semaphore(%arg24 : memref<!tpu.dma_semaphore, #tpu.memory_space<semaphore_mem>>) src(%arg7 : memref<64x128xf32, #tpu.memory_space<vmem>>) dst(%dma_wait3A_177 : memref<64x128xf32, #tpu.memory_space<hbm>>)
    %dma_wait3A_178 = arith.constant 0 : i32
    %dma_wait3A_179 = tpu.memref_slice %arg4[%mul3A_6, %dma_wait3A_178] : memref<819200x128xf32, #tpu.memory_space<hbm>> -> memref<64x128xf32, #tpu.memory_space<hbm>>
    %dma_wait3A_180 = arith.constant 0 : i32
    %dma_wait3A_181 = tpu.memref_slice %arg4[%mul3A_6, %dma_wait3A_180] : memref<819200x128xf32, #tpu.memory_space<hbm>> -> memref<64x128xf32, #tpu.memory_space<hbm>>
    tpu.wait_dma2 semaphore(%arg25 : memref<!tpu.dma_semaphore, #tpu.memory_space<semaphore_mem>>) src(%arg8 : memref<64x128xf32, #tpu.memory_space<vmem>>) dst(%dma_wait3A_181 : memref<64x128xf32, #tpu.memory_space<hbm>>)
    %dma_wait3A_182 = arith.constant 0 : i32
    %dma_wait3A_183 = tpu.memref_slice %arg4[%mul3A_6, %dma_wait3A_182] : memref<819200x128xf32, #tpu.memory_space<hbm>> -> memref<64x128xf32, #tpu.memory_space<hbm>>
    %dma_wait3A_184 = arith.constant 0 : i32
    %dma_wait3A_185 = tpu.memref_slice %arg4[%mul3A_6, %dma_wait3A_184] : memref<819200x128xf32, #tpu.memory_space<hbm>> -> memref<64x128xf32, #tpu.memory_space<hbm>>
    tpu.wait_dma2 semaphore(%arg26 : memref<!tpu.dma_semaphore, #tpu.memory_space<semaphore_mem>>) src(%arg9 : memref<64x128xf32, #tpu.memory_space<vmem>>) dst(%dma_wait3A_185 : memref<64x128xf32, #tpu.memory_space<hbm>>)
    %dma_wait3A_186 = arith.constant 0 : i32
    %dma_wait3A_187 = tpu.memref_slice %arg4[%mul3A_6, %dma_wait3A_186] : memref<819200x128xf32, #tpu.memory_space<hbm>> -> memref<64x128xf32, #tpu.memory_space<hbm>>
    %dma_wait3A_188 = arith.constant 0 : i32
    %dma_wait3A_189 = tpu.memref_slice %arg4[%mul3A_6, %dma_wait3A_188] : memref<819200x128xf32, #tpu.memory_space<hbm>> -> memref<64x128xf32, #tpu.memory_space<hbm>>
    tpu.wait_dma2 semaphore(%arg27 : memref<!tpu.dma_semaphore, #tpu.memory_space<semaphore_mem>>) src(%arg10 : memref<64x128xf32, #tpu.memory_space<vmem>>) dst(%dma_wait3A_189 : memref<64x128xf32, #tpu.memory_space<hbm>>)
    %dma_wait3A_190 = arith.constant 0 : i32
    %dma_wait3A_191 = tpu.memref_slice %arg4[%mul3A_6, %dma_wait3A_190] : memref<819200x128xf32, #tpu.memory_space<hbm>> -> memref<64x128xf32, #tpu.memory_space<hbm>>
    %dma_wait3A_192 = arith.constant 0 : i32
    %dma_wait3A_193 = tpu.memref_slice %arg4[%mul3A_6, %dma_wait3A_192] : memref<819200x128xf32, #tpu.memory_space<hbm>> -> memref<64x128xf32, #tpu.memory_space<hbm>>
    tpu.wait_dma2 semaphore(%arg28 : memref<!tpu.dma_semaphore, #tpu.memory_space<semaphore_mem>>) src(%arg11 : memref<64x128xf32, #tpu.memory_space<vmem>>) dst(%dma_wait3A_193 : memref<64x128xf32, #tpu.memory_space<hbm>>)
    %dma_wait3A_194 = arith.constant 0 : i32
    %dma_wait3A_195 = tpu.memref_slice %arg4[%mul3A_6, %dma_wait3A_194] : memref<819200x128xf32, #tpu.memory_space<hbm>> -> memref<64x128xf32, #tpu.memory_space<hbm>>
    %dma_wait3A_196 = arith.constant 0 : i32
    %dma_wait3A_197 = tpu.memref_slice %arg4[%mul3A_6, %dma_wait3A_196] : memref<819200x128xf32, #tpu.memory_space<hbm>> -> memref<64x128xf32, #tpu.memory_space<hbm>>
    tpu.wait_dma2 semaphore(%arg29 : memref<!tpu.dma_semaphore, #tpu.memory_space<semaphore_mem>>) src(%arg12 : memref<64x128xf32, #tpu.memory_space<vmem>>) dst(%dma_wait3A_197 : memref<64x128xf32, #tpu.memory_space<hbm>>)
    %dma_wait3A_198 = arith.constant 0 : i32
    %dma_wait3A_199 = tpu.memref_slice %arg4[%mul3A_6, %dma_wait3A_198] : memref<819200x128xf32, #tpu.memory_space<hbm>> -> memref<64x128xf32, #tpu.memory_space<hbm>>
    %dma_wait3A_200 = arith.constant 0 : i32
    %dma_wait3A_201 = tpu.memref_slice %arg4[%mul3A_6, %dma_wait3A_200] : memref<819200x128xf32, #tpu.memory_space<hbm>> -> memref<64x128xf32, #tpu.memory_space<hbm>>
    tpu.wait_dma2 semaphore(%arg30 : memref<!tpu.dma_semaphore, #tpu.memory_space<semaphore_mem>>) src(%arg13 : memref<64x128xf32, #tpu.memory_space<vmem>>) dst(%dma_wait3A_201 : memref<64x128xf32, #tpu.memory_space<hbm>>)
    return
  }
}

</mosaic_0001>

<sc_bundles>
// kernel: kernel.3.cloned.1.call-start
scs
__scs_entry_jumppad:
0x0: {  	(pc) =	sbr.rel $0x88, $3  }
0x1: {  	(tag) =	ssettag $0x0;
	lr =	simm.s32 $0x1  }
0x2: {  	[smem:$0x3F9F] =	sst lr;
	_ =	strace $0xD0000000  }
0x3: {  	_ = 	snop  }
0x4: {  	_ = 	snop  }
0x5: {  	_ = 	snop  }
0x6: {  	_ = 	snop  }
0x7: {  	_ = 	snop  }
__scs_overlays_trampoline_lowered:
0x8: {  	[smem:$0x3FAE] =	sst s0  }
0x9: {  	[smem:$0x3FAF] =	sst s1  }
0xa: {  	[smem:$0x3FB0] =	sst s2  }
0xb: {  	[smem:$0x3FB1] =	sst s3  }
0xc: {  	[smem:$0x3FB2] =	sst s4  }
0xd: {  	[smem:$0x3FB3] =	sst s5  }
0xe: {  	[smem:$0x3FB4] =	sst s6  }
0xf: {  	[smem:$0x3FB5] =	sst s7  }
0x10: {  	[smem:$0x3FB6] =	sst s8  }
0x11: {  	[smem:$0x3FB7] =	sst s9;
	s0 =	simm.s32 @!p0 $0x0  }
0x12: {  	s1 =	sld [smem:$0x3F9D];
	s0 =	simm.s32 @p0 $0x1  }
0x13: {  	[smem:$0x3FB8] =	sst s0;
	s0 =	simm.s32 @!p1 $0x0  }
0x14: {  	s2 =	sld [smem:$0x3F9C];
	s0 =	simm.s32 @p1 $0x1  }
0x15: {  	[smem:$0x3FB9] =	sst s0;
	s0 =	simm.s32 @!p2 $0x0  }
0x16: {  	s3 =	sld [smem:$0x3FDB];
	s0 =	simm.s32 @p2 $0x1  }
0x17: {  	s4 =	simm.s32 $0x1BF5;
	[smem:$0x3FBB] =	sst s0  }
0x18: {  	s0 =	sld [smem:$0x3F9E];
	_ =	swait.ge [sflag:s4], $0x0  }
0x19: {  	s7 =	sld [smem:$0x3F9F]  }
0x1a: {  	s8 =	sadd.s32 $0xFFFFE003, lr  }
0x1b: {  	s9 =	sadd.s32 $0xFFFFFEF7, lr;
	s5 =	simm.s32 $0xFFFFFFFF;
	p2 =	slt.u32 s8, $0xFFFFF086  }
0x1c: {  	p1 =	slt.u32 s9, $0xF7A;
	s5 =	simm.s32 @!p2 $0x0  }
0x1d: {  	s5 =	simm.s32 @p1 $0x1;
	p0 =	seq.s32 s7, s2  }
0x1e: {  	s7 =	smul.u32 @!p0 $0xF7A, s2;
	p2 =	seq.s32 @!p0 s5, $0x0  }
0x1f: {  	s9 =	smul.u32 $0xF7A, s1;
	s8 =	simm.s32 @!p0 $0x1BF5;
	p2 =	por !p2, p0  }
0x20: {  	[sflag:s8] =	ssyncset.s32 @!p0 $0xFFFFF086;
	s6 =	sadd.s32 @!p0 s3, s7;
	s7 =	simm.s32 @!p0 $0x108  }
0x21: {  	s3 =	sadd.s32 s3, s9;
	s6 =	sadd.s32 @!p0 $0x88, s6;
	s7 =	simm.s32 @p2 $0x1082  }
0x22: {  	[simem:s7], [sflag:s8] =	dma.local @!p0 [hbm:s6], $0xF7A  }
0x23: {  	s9 =	sor.u32 $0xD0000000, s2;
	s6 =	simm.s32 $0x108;
	_ =	swait.ge @!p0 [sflag:s8], $0x0  }
0x24: {  	s3 =	sadd.s32 $0x88, s3;
	s6 =	simm.s32 @!p1 $0x1082;
	[sflag:s4] =	ssyncset.s32 $0xFFFFF086  }
0x25: {  	[simem:s6], [sflag:s4] =	dma.local [hbm:s3], $0xF7A  }
0x26: {  	[smem:$0x3F9F] =	sst s1;
	(tag) =	ssettag s2;
	_ =	strace s9  }
0x27: {  	s1 =	sld [smem:$0x3FAF]  }
0x28: {  	s2 =	sld [smem:$0x3FB0]  }
0x29: {  	s4 =	sld [smem:$0x3FB2]  }
0x2a: {  	p0 =	seq.s32 s5, $0x0;
	s5 =	sld [smem:$0x3FB3]  }
0x2b: {  	s6 =	sld [smem:$0x3FB4]  }
0x2c: {  	s7 =	sld [smem:$0x3FB5]  }
0x2d: {  	s3 =	simm.s32 $0x108;
	s8 =	sld [smem:$0x3FB6]  }
0x2e: {  	s3 =	simm.s32 @!p0 $0x1082;
	s9 =	sld [smem:$0x3FB7]  }
0x2f: {  	lr =	sadd.s32 s0, s3;
	s0 =	sld [smem:$0x3FAE]  }
0x30: {  	s3 =	sld [smem:$0x3FB1]  }
0x31: {  	[smem:$0x3FBA] =	sst s10  }
0x32: {  	s10 =	sld [smem:$0x3FB8];
	_ =	sdelay $0x3  }
0x33: {  	p0 =	seq.s32 s10, $0x1;
	s10 =	sld [smem:$0x3FBA];
	_ =	sdelay $0x3  }
0x34: {  	[smem:$0x3FBA] =	sst s10  }
0x35: {  	s10 =	sld [smem:$0x3FB9];
	_ =	sdelay $0x3  }
0x36: {  	p1 =	seq.s32 s10, $0x1;
	s10 =	sld [smem:$0x3FBA];
	_ =	sdelay $0x3  }
0x37: {  	[smem:$0x3FBA] =	sst s10  }
0x38: {  	s10 =	sld [smem:$0x3FBB]  }
0x39: {  	_ = 	snop;
	(pc) =	sbr.ind lr, $3  }
0x3a: {  	_ = 	snop  }
0x3b: {  	_ = 	snop  }
0x3c: {  	p2 =	seq.s32 s10, $0x1;
	s10 =	sld [smem:$0x3FBA]  }
0x3d: {  	_ =	shalt  }
0x3e: {  	_ =	shalt  }
0x3f: {  	_ =	shalt  }
0x40: {  	_ =	shalt  }
0x41: {  	_ =	shalt  }
0x42: {  	_ =	shalt  }
0x43: {  	_ =	shalt  }
0x44: {  	_ =	shalt  }
0x45: {  	_ =	shalt  }
0x46: {  	_ =	shalt  }
0x47: {  	_ =	shalt  }
0x48: {  	_ =	shalt  }
0x49: {  	_ =	shalt  }
0x4a: {  	_ =	shalt  }
0x4b: {  	_ =	shalt  }
0x4c: {  	_ =	shalt  }
0x4d: {  	_ =	shalt  }
0x4e: {  	_ =	shalt  }
0x4f: {  	_ =	shalt  }
0x50: {  	_ =	shalt  }
0x51: {  	_ =	shalt  }
0x52: {  	_ =	shalt  }
0x53: {  	_ =	shalt  }
0x54: {  	_ =	shalt  }
0x55: {  	_ =	shalt  }
0x56: {  	_ =	shalt  }
0x57: {  	_ =	shalt  }
0x58: {  	_ =	shalt  }
0x59: {  	_ =	shalt  }
0x5a: {  	_ =	shalt  }
0x5b: {  	_ =	shalt  }
0x5c: {  	_ =	shalt  }
0x5d: {  	_ =	shalt  }
0x5e: {  	_ =	shalt  }
0x5f: {  	_ =	shalt  }
0x60: {  	_ =	shalt  }
0x61: {  	_ =	shalt  }
0x62: {  	_ =	shalt  }
0x63: {  	_ =	shalt  }
0x64: {  	_ =	shalt  }
0x65: {  	_ =	shalt  }
0x66: {  	_ =	shalt  }
0x67: {  	_ =	shalt  }
0x68: {  	_ =	shalt  }
0x69: {  	_ =	shalt  }
0x6a: {  	_ =	shalt  }
0x6b: {  	_ =	shalt  }
0x6c: {  	_ =	shalt  }
0x6d: {  	_ =	shalt  }
0x6e: {  	_ =	shalt  }
0x6f: {  	_ =	shalt  }
0x70: {  	_ =	shalt  }
0x71: {  	_ =	shalt  }
0x72: {  	_ =	shalt  }
0x73: {  	_ =	shalt  }
0x74: {  	_ =	shalt  }
0x75: {  	_ =	shalt  }
0x76: {  	_ =	shalt  }
0x77: {  	_ =	shalt  }
0x78: {  	_ =	shalt  }
0x79: {  	_ =	shalt  }
0x7a: {  	_ =	shalt  }
0x7b: {  	_ =	shalt  }
0x7c: {  	_ =	shalt  }
0x7d: {  	_ =	shalt  }
0x7e: {  	_ =	shalt  }
0x7f: {  	_ =	shalt  }
0x80: {  	_ =	shalt  }
0x81: {  	_ =	shalt  }
0x82: {  	_ =	shalt  }
0x83: {  	_ =	shalt  }
0x84: {  	_ =	shalt  }
0x85: {  	_ =	shalt  }
0x86: {  	_ =	shalt  }
0x87: {  	_ =	shalt  }
.Lfunc_end0:
.L_simem_size_0:
called_computation_lowered:
.L_overlay_start_0:
0x88: {  	s2 =	sld [smem:$0x3FD9]  }
0x89: {  	s3 =	sld [smem:$0x3FFE];
	_ =	sdelay $0x1  }
0x8a: {  	s1 =	srdreg.scid  }
0x8b: {  	s0 =	sand.u32 $0x1, s1  }
0x8c: {  	s17 =	sshll.u32 s0, $0xA;
	s2 =	sadd.s32 s3, s2  }
0x8d: {  	s2 =	sadd.s32 s2, s17  }
0x8e: {  	[smem:$0x3FC6] =	sst s2  }
0x8f: {  	_ = 	snop  }
0x90: {  	s2 =	sld [smem:$0x3FC8]  }
0x91: {  	s18 =	sld [smem:$0x3FD0];
	(tm) =	ssettm $0x1  }
0x92: {  	s4 =	sld [smem:$0x3FFB];
	_ =	sdelay $0x3  }
0x93: {  	_ =	strace s4  }
0x94: {  	s4 =	sld [smem:$0x3FFC];
	_ =	sdelay $0x3  }
0x95: {  	_ =	strace s4  }
0x96: {  	s4 =	sld [smem:$0x3FFD];
	_ =	sdelay $0x3  }
0x97: {  	_ =	strace s4  }
0x98: {  	_ =	strace $0x8FFFFFFF  }
0x99: {  	s19 =	sld [smem:$0x3FDB];
	_ =	sdelay $0x1  }
0x9a: {  	s5 =	simm.s32 $_scs_section_size  }
0x9b: {  	s6 =	simm.s32 $_size__tile_overlayer_lowered;
	s7 =	simm.s32 $_tile_overlayer_lowered  }
0x9c: {  	s22 =	simm.s32 $0x1BFF;
	s21 =	sshll.u32 s7, $0x1;
	s4 =	sadd.s32 s5, s19  }
0x9d: {  	s8 =	simm.s32 $0x0;
	s20 =	sshll.u32 s6, $0x1;
	s6 =	sadd.s32 s21, s4  }
0x9e: {  	[timem:s8], [sflag:s22] =	dma.local [hbm:s6], s20  }
0x9f: {  	_ =	swait.ge [sflag:s22], s20  }
0xa0: {  	s5 =	ssub.s32 $0x0, s20;
	[sflag:s22] =	ssyncset.done $0x0  }
0xa1: {  	[sflag:s22] =	ssyncadd.s32 s5;
	_ =	sdelay $0x1  }
0xa2: {  	s23 =	simm.s32 $0x1B8B  }
0xa3: {  	_ =	swait.ge [sflag:s23], $0x1  }
0xa4: {  	[sflag:s23] =	ssyncset.done $0x0  }
0xa5: {  	s25 =	simm.s32 $0x1B8E;
	s24 =	sld [smem:$0x3FFE];
	[sflag:s23] =	ssyncadd.s32 $0xFFFFFFFF  }
0xa6: {  	s26 =	simm.s32 $execute0_lowered;
	[smem:$0x3FD2] =	sst s25  }
0xa7: {  	s6 =	sshll.u32 s26, $0x1;
	_ =	strace $0x80000046;
	[dreg:$0x1] =	wrdreg $0xFFFFFFFF  }
0xa8: {  	s28 =	simm.s32 $_size_execute0_lowered;
	s4 =	sadd.s32 s4, s6;
	[dreg:$0x0] =	wrdreg $0x0  }
0xa9: {  	s6 =	sshll.u32 s28, $0x1;
	[dreg:$0x2] =	wrdreg s4  }
0xaa: {  	[dreg:$0x3] =	wrdreg s6  }
0xab: {  	[dreg:$0x4] =	wrdreg $0xC0  }
0xac: {  	_ =	task [dreg:s8], $0x5FFFF  }
0xad: {  	[dreg:$0x1] =	wrdreg $0xFFFFFFFF  }
0xae: {  	[dreg:$0x0] =	wrdreg $0x60  }
0xaf: {  	[dreg:$0x2] =	wrdreg s24  }
0xb0: {  	[dreg:$0x3] =	wrdreg s2  }
0xb1: {  	[dreg:$0x4] =	wrdreg s18  }
0xb2: {  	[dreg:$0x5] =	wrdreg $0x1C8000  }
0xb3: {  	[dreg:$0x6] =	wrdreg $0x9  }
0xb4: {  	_ =	task.clear_ibuf [dreg:s8], $0x7FFFF;
	_ =	strace $0x90000046  }
0xb5: {  	s29 =	simm.s32 $0x9;
	_ =	strace $0x80000048  }
0xb6: {  	_ =	swait.ge [sflag:s29], $0x1  }
0xb7: {  	[sflag:s29] =	ssyncadd.s32 $0xFFFFFFFF  }
0xb8: {  	_ =	strace $0x90000048  }
0xb9: {  	_ =	sfence  }
0xba: {  	s30 =	sld [smem:$0x0];
	_ =	sdelay $0x2  }
0xbb: {  	s31 =	sshll.u32 s1, $0xD;
	s1 =	sshrl.u32 s1, $0x2  }
0xbc: {  	s3 =	sand.u32 $0x4000, s31;
	s1 =	sadd.s32 s1, s30  }
0xbd: {  	s0 =	sor.u32 s3, s0;
	s1 =	sshll.u32 s1, $0x11  }
0xbe: {  	s0 =	sor.u32 s1, s0  }
0xbf: {  	s0 =	sadd.s32 $0x8F2B, s0  }
0xc0: {  	[sflag:s0] =	ssyncadd.remote.s32 $0x1  }
0xc1: {  	_ =	sfence.sel $0xFFFF  }
0xc2: {  	[dreg:$0x0] =	wrdreg $0xFFFFFFFF;
	(pc) =	sbr.abs _section_cstart, $3  }
0xc3: {  	[dreg:$0x1] =	wrdreg $0xFFFFFFFF  }
0xc4: {  	_ =	task.clear_ibuf [dreg:s8], $0x2FFFF;
	_ =	strace $0x9FFFFFFF  }
0xc5: {  	(tm) =	ssettm $0x7FFFFFFF  }
tec
execute0_lowered:
.L_overlay_start_1:
0x0: {  	(tag) =	ssettag $0x1  }
0x1: {  	s0 =	rddreg [dreg:$0x0];
	s1 =	srdreg.scid  }
0x2: {  	s4 =	stileid.u32;
	s5 =	rddreg [dreg:$0x2]  }
0x3: {  	s2 =	rddreg [dreg:$0x3];
	s16 =	simm.s32 $0x40;
	s29 =	simm.s32 $0x7  }
0x4: {  	s31 =	simm.s32 $0x8;
	s1 =	sand.u32 $0x1, s1;
	s3 =	sshll.u32 s4, $0x1  }
0x5: {  	s10 =	simm.s32 $0xF;
	s11 =	simm.s32 $0x10;
	s6 =	sor.u32 s1, s3  }
0x6: {  	s3 =	simm.s32 $0x0;
	s8 =	ssub.s32 $0x2, s1;
	s7 =	smul.u32 $0x320000, s6  }
0x7: {  	[smem:$0x7FF] =	sst s3;
	s6 =	smul.u32 $0x1900, s6;
	s9 =	sshrl.u32 s8, $0x1  }
0x8: {  	s19 =	smul.u32 $0x640000, s4;
	_ =	strace $0x80000047;
	s17 =	ssub.s32 s8, s9  }
0x9: {  	s7 =	sshrl.u32 s7, $0x3;
	s0 =	sadd.s32 s6, s0;
	s6 =	smax.u32 s17, $0x1  }
0xa: {  	s7 =	sadd.s32 s5, s7;
	s0 =	sadd.s32 $0x400, s0;
	[dreg:$0x10] =	wrdreg s6  }
0xb: {  	s28 =	smul.u32 $0xC8000, s4;
	[dreg:$0x7] =	wrdreg s0;
	s18 =	sadd.s32 $0x62000, s7  }
0xc: {  	p0 =	sne.s32 s4, $0x0;
	s20 =	sadd.s32 $0x62400, s7;
	[dreg:$0x8] =	wrdreg s18  }
0xd: {  	s4 =	simm.s32 $0x9;
	s21 =	sadd.s32 $0x62800, s7;
	[dreg:$0x9] =	wrdreg s20  }
0xe: {  	s22 =	smul.u32 $0x320000, s1;
	s23 =	sadd.s32 $0x62C00, s7;
	[dreg:$0xa] =	wrdreg s21  }
0xf: {  	s1 =	smul.u32 $0x64000, s1;
	s24 =	sadd.s32 $0x63000, s7;
	[dreg:$0xb] =	wrdreg s23  }
0x10: {  	s8 =	simm.s32 $0xD;
	s25 =	sadd.s32 $0x63400, s7;
	[dreg:$0xc] =	wrdreg s24  }
0x11: {  	s9 =	simm.s32 $0xE;
	s26 =	sadd.s32 $0x63800, s7;
	[dreg:$0xd] =	wrdreg s25  }
0x12: {  	s6 =	simm.s32 $0xB;
	s7 =	sadd.s32 $0x63C00, s7;
	[dreg:$0xe] =	wrdreg s26  }
0x13: {  	s0 =	sadd.s32 s22, s19;
	s22 =	simm.s32 $0x4;
	[dreg:$0xf] =	wrdreg s7  }
0x14: {  	s0 =	sshrl.u32 s0, $0x3;
	s18 =	simm.s32 $0x2;
	s20 =	simm.s32 $0x3  }
0x15: {  	s24 =	simm.s32 $0x5;
	s0 =	sadd.s32 s0, s5;
	s5 =	sadd.s32 s28, s5  }
0x16: {  	s26 =	simm.s32 $0x6;
	[dreg:$0x5] =	wrdreg s0;
	s30 =	sadd.s32 s1, s5  }
0x17: {  	s7 =	simm.s32 $0xC;
	s0 =	sshrl.u32 @!p0 s2, $0x3;
	[dreg:$0x6] =	wrdreg s30  }
0x18: {  	s5 =	simm.s32 $0xA;
	[dreg:$0x11] =	wrdreg s0;
	s0 =	simm.s32 $0x0  }
.LBB2_1:
0x19: {  	[dreg:$0x12] =	wrdreg s0  }
0x1a: {  	s12 =	rddreg [dreg:$0x1]  }
0x1b: {  	s13 =	simm.s32 @!p0 $0x1C11;
	s14 =	rddreg [dreg:$0x11]  }
0x1c: {  	[spmem:s14], [sflag:s13] =	dma.local @!p0 [hbm:s12], $0x2000  }
0x1d: {  	s13 =	simm.s32 @!p0 $0x11  }
0x1e: {  	_ =	swait.ge @!p0 [sflag:s13], $0x2000  }
0x1f: {  	[sflag:s13] =	ssyncset.done @!p0 $0x0  }
0x20: {  	[sflag:s13] =	ssyncadd.s32 @!p0 $0xFFFFE000  }
0x21: {  	[bflag:$0x0] =	sbarrier.arrive $0xFFFF  }
0x22: {  	s21 =	simm.s32 $0x11;
	s19 =	rddreg [dreg:$0x7]  }
0x23: {  	[tilespmem:s3], [sflag:$0x11] =	stream.linear.gather [hbm4b:s19+s3], $0xC800, $0x38;
	[tilespmem:$0x1D800] =	vst v63  }
0x24: {  	_ =	swait.ge [sflag:s21], $0xC800  }
0x25: {  	[sflag:s21] =	ssyncset.done $0x0  }
0x26: {  	s12 =	simm.s32 $0xC800;
	[sflag:s21] =	ssyncadd.s32 $0xFFFF3800  }
0x27: {  	[tilespmem:s12], [sflag:$0x1] =	stream.indirect.gather [spmem:s2], $0x80, s3, s16, $0xb8;
	[tilespmem:$0x1D800] =	vst v63  }
0x28: {  	s23 =	simm.s32 $0x80;
	s15 =	simm.s32 $0xE800  }
0x29: {  	[tilespmem:s15], [sflag:$0x2] =	stream.indirect.gather [spmem:s2], $0x80, s23, s16, $0xb8;
	[tilespmem:$0x1D800] =	vst v63  }
0x2a: {  	s25 =	simm.s32 $0x100;
	s17 =	simm.s32 $0x10800  }
0x2b: {  	[tilespmem:s17], [sflag:$0x3] =	stream.indirect.gather [spmem:s2], $0x80, s25, s16, $0xb8;
	[tilespmem:$0x1D800] =	vst v63  }
0x2c: {  	s28 =	simm.s32 $0x180;
	s19 =	simm.s32 $0x12800  }
0x2d: {  	[tilespmem:s19], [sflag:$0x4] =	stream.indirect.gather [spmem:s2], $0x80, s28, s16, $0xb8;
	[tilespmem:$0x1D800] =	vst v63  }
0x2e: {  	s30 =	simm.s32 $0x200;
	s21 =	simm.s32 $0x14800  }
0x2f: {  	[tilespmem:s21], [sflag:$0x5] =	stream.indirect.gather [spmem:s2], $0x80, s30, s16, $0xb8;
	[tilespmem:$0x1D800] =	vst v63  }
0x30: {  	s0 =	simm.s32 $0x280;
	s23 =	simm.s32 $0x16800  }
0x31: {  	[tilespmem:s23], [sflag:$0x6] =	stream.indirect.gather [spmem:s2], $0x80, s0, s16, $0xb8;
	[tilespmem:$0x1D800] =	vst v63  }
0x32: {  	s1 =	simm.s32 $0x300;
	s25 =	simm.s32 $0x18800  }
0x33: {  	[tilespmem:s25], [sflag:$0x7] =	stream.indirect.gather [spmem:s2], $0x80, s1, s16, $0xb8;
	[tilespmem:$0x1D800] =	vst v63  }
0x34: {  	s14 =	simm.s32 $0x1;
	s0 =	simm.s32 $0x1A800;
	s1 =	simm.s32 $0x380  }
0x35: {  	[tilespmem:s0], [sflag:$0x8] =	stream.indirect.gather [spmem:s2], $0x80, s1, s16, $0xb8;
	[tilespmem:$0x1D800] =	vst v63  }
0x36: {  	_ =	swait.ge [sflag:s14], $0x2000  }
0x37: {  	s28 =	rddreg [dreg:$0x5];
	[sflag:s14] =	ssyncset.done $0x0  }
0x38: {  	[sflag:s14] =	ssyncadd.s32 $0xFFFFE000;
	s13 =	sadd.s32 $0x0, s28  }
0x39: {  	[hbm4b:s13+s3] =	stream.linear.scatter [tilespmem:s12], [sflag:$0x9], $0x2000, $0x38;
	[tilespmem:$0x1D800] =	vst v63  }
0x3a: {  	_ =	swait.ge [sflag:s18], $0x2000  }
0x3b: {  	s30 =	rddreg [dreg:$0x6]  }
0x3c: {  	[sflag:s18] =	ssyncset.done $0x0;
	s13 =	sadd.s32 $0x0, s30  }
0x3d: {  	[sflag:s18] =	ssyncadd.s32 $0xFFFFE000;
	s1 =	sadd.s32 $0x400, s13  }
0x3e: {  	[hbm4b:s1+s3] =	stream.linear.scatter [tilespmem:s15], [sflag:$0xA], $0x2000, $0x38;
	[tilespmem:$0x1D800] =	vst v63  }
0x3f: {  	_ =	swait.ge [sflag:s20], $0x2000  }
0x40: {  	[sflag:s20] =	ssyncset.done $0x0  }
0x41: {  	s28 =	sadd.s32 $0x800, s13;
	[sflag:s20] =	ssyncadd.s32 $0xFFFFE000  }
0x42: {  	[hbm4b:s28+s3] =	stream.linear.scatter [tilespmem:s17], [sflag:$0xB], $0x2000, $0x38;
	[tilespmem:$0x1D800] =	vst v63  }
0x43: {  	_ =	swait.ge [sflag:s22], $0x2000  }
0x44: {  	[sflag:s22] =	ssyncset.done $0x0  }
0x45: {  	s30 =	sadd.s32 $0xC00, s13;
	[sflag:s22] =	ssyncadd.s32 $0xFFFFE000  }
0x46: {  	[hbm4b:s30+s3] =	stream.linear.scatter [tilespmem:s19], [sflag:$0xC], $0x2000, $0x38;
	[tilespmem:$0x1D800] =	vst v63  }
0x47: {  	_ =	swait.ge [sflag:s24], $0x2000  }
0x48: {  	[sflag:s24] =	ssyncset.done $0x0  }
0x49: {  	s1 =	sadd.s32 $0x1000, s13;
	[sflag:s24] =	ssyncadd.s32 $0xFFFFE000  }
0x4a: {  	[hbm4b:s1+s3] =	stream.linear.scatter [tilespmem:s21], [sflag:$0xD], $0x2000, $0x38;
	[tilespmem:$0x1D800] =	vst v63  }
0x4b: {  	_ =	swait.ge [sflag:s26], $0x2000  }
0x4c: {  	[sflag:s26] =	ssyncset.done $0x0  }
0x4d: {  	s28 =	sadd.s32 $0x1400, s13;
	[sflag:s26] =	ssyncadd.s32 $0xFFFFE000  }
0x4e: {  	[hbm4b:s28+s3] =	stream.linear.scatter [tilespmem:s23], [sflag:$0xE], $0x2000, $0x38;
	[tilespmem:$0x1D800] =	vst v63  }
0x4f: {  	_ =	swait.ge [sflag:s29], $0x2000  }
0x50: {  	[sflag:s29] =	ssyncset.done $0x0  }
0x51: {  	s30 =	sadd.s32 $0x1800, s13;
	[sflag:s29] =	ssyncadd.s32 $0xFFFFE000  }
0x52: {  	[hbm4b:s30+s3] =	stream.linear.scatter [tilespmem:s25], [sflag:$0xF], $0x2000, $0x38;
	[tilespmem:$0x1D800] =	vst v63  }
0x53: {  	_ =	swait.ge [sflag:s31], $0x2000  }
0x54: {  	[sflag:s31] =	ssyncset.done $0x0  }
0x55: {  	s13 =	sadd.s32 $0x1C00, s13;
	[sflag:s31] =	ssyncadd.s32 $0xFFFFE000  }
0x56: {  	[hbm4b:s13+s3] =	stream.linear.scatter [tilespmem:s0], [sflag:$0x10], $0x2000, $0x38;
	[tilespmem:$0x1D800] =	vst v63  }
0x57: {  	_ =	swait.ge [sflag:s4], $0x2000  }
0x58: {  	[sflag:s4] =	ssyncset.done $0x0  }
0x59: {  	s1 =	simm.s32 $0x400;
	[sflag:s4] =	ssyncadd.s32 $0xFFFFE000  }
0x5a: {  	[tilespmem:s12], [sflag:$0x1] =	stream.indirect.gather [spmem:s2], $0x80, s1, s16, $0xb8;
	[tilespmem:$0x1D800] =	vst v63  }
0x5b: {  	_ =	swait.ge [sflag:s5], $0x2000  }
0x5c: {  	[sflag:s5] =	ssyncset.done $0x0  }
0x5d: {  	s14 =	simm.s32 $0x480;
	[sflag:s5] =	ssyncadd.s32 $0xFFFFE000  }
0x5e: {  	[tilespmem:s15], [sflag:$0x2] =	stream.indirect.gather [spmem:s2], $0x80, s14, s16, $0xb8;
	[tilespmem:$0x1D800] =	vst v63  }
0x5f: {  	_ =	swait.ge [sflag:s6], $0x2000  }
0x60: {  	[sflag:s6] =	ssyncset.done $0x0  }
0x61: {  	s15 =	simm.s32 $0x500;
	[sflag:s6] =	ssyncadd.s32 $0xFFFFE000  }
0x62: {  	[tilespmem:s17], [sflag:$0x3] =	stream.indirect.gather [spmem:s2], $0x80, s15, s16, $0xb8;
	[tilespmem:$0x1D800] =	vst v63  }
0x63: {  	_ =	swait.ge [sflag:s7], $0x2000  }
0x64: {  	[sflag:s7] =	ssyncset.done $0x0  }
0x65: {  	s17 =	simm.s32 $0x580;
	[sflag:s7] =	ssyncadd.s32 $0xFFFFE000  }
0x66: {  	[tilespmem:s19], [sflag:$0x4] =	stream.indirect.gather [spmem:s2], $0x80, s17, s16, $0xb8;
	[tilespmem:$0x1D800] =	vst v63  }
0x67: {  	_ =	swait.ge [sflag:s8], $0x2000  }
0x68: {  	[sflag:s8] =	ssyncset.done $0x0  }
0x69: {  	s19 =	simm.s32 $0x600;
	[sflag:s8] =	ssyncadd.s32 $0xFFFFE000  }
0x6a: {  	[tilespmem:s21], [sflag:$0x5] =	stream.indirect.gather [spmem:s2], $0x80, s19, s16, $0xb8;
	[tilespmem:$0x1D800] =	vst v63  }
0x6b: {  	_ =	swait.ge [sflag:s9], $0x2000  }
0x6c: {  	[sflag:s9] =	ssyncset.done $0x0  }
0x6d: {  	s28 =	simm.s32 $0x680;
	[sflag:s9] =	ssyncadd.s32 $0xFFFFE000  }
0x6e: {  	[tilespmem:s23], [sflag:$0x6] =	stream.indirect.gather [spmem:s2], $0x80, s28, s16, $0xb8;
	[tilespmem:$0x1D800] =	vst v63  }
0x6f: {  	_ =	swait.ge [sflag:s10], $0x2000  }
0x70: {  	[sflag:s10] =	ssyncset.done $0x0  }
0x71: {  	s30 =	simm.s32 $0x700;
	[sflag:s10] =	ssyncadd.s32 $0xFFFFE000  }
0x72: {  	[tilespmem:s25], [sflag:$0x7] =	stream.indirect.gather [spmem:s2], $0x80, s30, s16, $0xb8;
	[tilespmem:$0x1D800] =	vst v63  }
0x73: {  	_ =	swait.ge [sflag:s11], $0x2000  }
0x74: {  	s13 =	simm.s32 $0x780;
	[sflag:s11] =	ssyncset.done $0x0  }
0x75: {  	s14 =	simm.s32 $0x2000;
	s15 =	simm.s32 $0xB80;
	[sflag:s11] =	ssyncadd.s32 $0xFFFFE000  }
.LBB2_2:
0x76: {  	s0 =	simm.s32 $0x1A800;
	s1 =	simm.s32 $0x1  }
0x77: {  	[tilespmem:s0], [sflag:$0x8] =	stream.indirect.gather [spmem:s2], $0x80, s13, s16, $0xb8;
	[tilespmem:$0x1D800] =	vst v63  }
0x78: {  	_ =	swait.ge [sflag:s1], $0x2000  }
0x79: {  	s12 =	smov.u32 s14;
	s17 =	rddreg [dreg:$0x5];
	[sflag:s1] =	ssyncset.done $0x0  }
0x7a: {  	s19 =	simm.s32 $0xC800;
	[sflag:s1] =	ssyncadd.s32 $0xFFFFE000;
	s17 =	sadd.s32 s12, s17  }
0x7b: {  	[hbm4b:s17+s3] =	stream.linear.scatter [tilespmem:s19], [sflag:$0x9], $0x2000, $0x38;
	[tilespmem:$0x1D800] =	vst v63  }
0x7c: {  	_ =	swait.ge [sflag:s18], $0x2000  }
0x7d: {  	s23 =	rddreg [dreg:$0x6]  }
0x7e: {  	[sflag:s18] =	ssyncset.done $0x0;
	s12 =	sadd.s32 s12, s23  }
0x7f: {  	s21 =	simm.s32 $0xE800;
	[sflag:s18] =	ssyncadd.s32 $0xFFFFE000;
	s17 =	sadd.s32 $0x400, s12  }
0x80: {  	[hbm4b:s17+s3] =	stream.linear.scatter [tilespmem:s21], [sflag:$0xA], $0x2000, $0x38;
	[tilespmem:$0x1D800] =	vst v63  }
0x81: {  	_ =	swait.ge [sflag:s20], $0x2000  }
0x82: {  	[sflag:s20] =	ssyncset.done $0x0  }
0x83: {  	s23 =	simm.s32 $0x10800;
	s25 =	sadd.s32 $0x800, s12;
	[sflag:s20] =	ssyncadd.s32 $0xFFFFE000  }
0x84: {  	[hbm4b:s25+s3] =	stream.linear.scatter [tilespmem:s23], [sflag:$0xB], $0x2000, $0x38;
	[tilespmem:$0x1D800] =	vst v63  }
0x85: {  	_ =	swait.ge [sflag:s22], $0x2000  }
0x86: {  	[sflag:s22] =	ssyncset.done $0x0  }
0x87: {  	s1 =	sadd.s32 $0xC00, s12;
	s25 =	simm.s32 $0x12800;
	[sflag:s22] =	ssyncadd.s32 $0xFFFFE000  }
0x88: {  	[hbm4b:s1+s3] =	stream.linear.scatter [tilespmem:s25], [sflag:$0xC], $0x2000, $0x38;
	[tilespmem:$0x1D800] =	vst v63  }
0x89: {  	_ =	swait.ge [sflag:s24], $0x2000  }
0x8a: {  	[sflag:s24] =	ssyncset.done $0x0  }
0x8b: {  	s28 =	simm.s32 $0x14800;
	s1 =	sadd.s32 $0x1000, s12;
	[sflag:s24] =	ssyncadd.s32 $0xFFFFE000  }
0x8c: {  	[hbm4b:s1+s3] =	stream.linear.scatter [tilespmem:s28], [sflag:$0xD], $0x2000, $0x38;
	[tilespmem:$0x1D800] =	vst v63  }
0x8d: {  	_ =	swait.ge [sflag:s26], $0x2000  }
0x8e: {  	[sflag:s26] =	ssyncset.done $0x0  }
0x8f: {  	s30 =	simm.s32 $0x16800;
	s1 =	sadd.s32 $0x1400, s12;
	[sflag:s26] =	ssyncadd.s32 $0xFFFFE000  }
0x90: {  	[hbm4b:s1+s3] =	stream.linear.scatter [tilespmem:s30], [sflag:$0xE], $0x2000, $0x38;
	[tilespmem:$0x1D800] =	vst v63  }
0x91: {  	_ =	swait.ge [sflag:s29], $0x2000  }
0x92: {  	[sflag:s29] =	ssyncset.done $0x0  }
0x93: {  	s17 =	sadd.s32 $0x1800, s12;
	s1 =	simm.s32 $0x18800;
	[sflag:s29] =	ssyncadd.s32 $0xFFFFE000  }
0x94: {  	[hbm4b:s17+s3] =	stream.linear.scatter [tilespmem:s1], [sflag:$0xF], $0x2000, $0x38;
	[tilespmem:$0x1D800] =	vst v63  }
0x95: {  	_ =	swait.ge [sflag:s31], $0x2000  }
0x96: {  	[sflag:s31] =	ssyncset.done $0x0  }
0x97: {  	s12 =	sadd.s32 $0x1C00, s12;
	[sflag:s31] =	ssyncadd.s32 $0xFFFFE000  }
0x98: {  	[hbm4b:s12+s3] =	stream.linear.scatter [tilespmem:s0], [sflag:$0x10], $0x2000, $0x38;
	[tilespmem:$0x1D800] =	vst v63  }
0x99: {  	_ =	swait.ge [sflag:s4], $0x2000  }
0x9a: {  	[sflag:s4] =	ssyncset.done $0x0  }
0x9b: {  	s0 =	sadd.s32 $0xFFFFFC80, s15;
	[sflag:s4] =	ssyncadd.s32 $0xFFFFE000  }
0x9c: {  	[tilespmem:s19], [sflag:$0x1] =	stream.indirect.gather [spmem:s2], $0x80, s0, s16, $0xb8;
	[tilespmem:$0x1D800] =	vst v63  }
0x9d: {  	_ =	swait.ge [sflag:s5], $0x2000  }
0x9e: {  	[sflag:s5] =	ssyncset.done $0x0  }
0x9f: {  	s0 =	sadd.s32 $0xFFFFFD00, s15;
	[sflag:s5] =	ssyncadd.s32 $0xFFFFE000  }
0xa0: {  	[tilespmem:s21], [sflag:$0x2] =	stream.indirect.gather [spmem:s2], $0x80, s0, s16, $0xb8;
	[tilespmem:$0x1D800] =	vst v63  }
0xa1: {  	_ =	swait.ge [sflag:s6], $0x2000  }
0xa2: {  	[sflag:s6] =	ssyncset.done $0x0  }
0xa3: {  	s0 =	sadd.s32 $0xFFFFFD80, s15;
	[sflag:s6] =	ssyncadd.s32 $0xFFFFE000  }
0xa4: {  	[tilespmem:s23], [sflag:$0x3] =	stream.indirect.gather [spmem:s2], $0x80, s0, s16, $0xb8;
	[tilespmem:$0x1D800] =	vst v63  }
0xa5: {  	_ =	swait.ge [sflag:s7], $0x2000  }
0xa6: {  	[sflag:s7] =	ssyncset.done $0x0  }
0xa7: {  	s0 =	sadd.s32 $0xFFFFFE00, s15;
	[sflag:s7] =	ssyncadd.s32 $0xFFFFE000  }
0xa8: {  	[tilespmem:s25], [sflag:$0x4] =	stream.indirect.gather [spmem:s2], $0x80, s0, s16, $0xb8;
	[tilespmem:$0x1D800] =	vst v63  }
0xa9: {  	_ =	swait.ge [sflag:s8], $0x2000  }
0xaa: {  	[sflag:s8] =	ssyncset.done $0x0  }
0xab: {  	s0 =	sadd.s32 $0xFFFFFE80, s15;
	[sflag:s8] =	ssyncadd.s32 $0xFFFFE000  }
0xac: {  	[tilespmem:s28], [sflag:$0x5] =	stream.indirect.gather [spmem:s2], $0x80, s0, s16, $0xb8;
	[tilespmem:$0x1D800] =	vst v63  }
0xad: {  	_ =	swait.ge [sflag:s9], $0x2000  }
0xae: {  	[sflag:s9] =	ssyncset.done $0x0  }
0xaf: {  	p1 =	sne.s32 s14, $0x60000;
	s0 =	sadd.s32 $0xFFFFFF00, s15;
	[sflag:s9] =	ssyncadd.s32 $0xFFFFE000  }
0xb0: {  	[tilespmem:s30], [sflag:$0x6] =	stream.indirect.gather [spmem:s2], $0x80, s0, s16, $0xb8;
	[tilespmem:$0x1D800] =	vst v63  }
0xb1: {  	s14 =	sadd.s32 $0x2000, s14;
	s13 =	smov.u32 s15;
	_ =	swait.ge [sflag:s10], $0x2000  }
0xb2: {  	s17 =	simm.s32 $0xC800;
	s19 =	simm.s32 $0xE800;
	[sflag:s10] =	ssyncset.done $0x0  }
.Ltmp0:
0xb3: {  	s0 =	sadd.s32 $0xFFFFFF80, s15;
	[sflag:s10] =	ssyncadd.s32 $0xFFFFE000;
	(pc) =	sbr.rel @p1 .LBB2_2-.Ltmp0, $4  }
0xb4: {  	[tilespmem:s1], [sflag:$0x7] =	stream.indirect.gather [spmem:s2], $0x80, s0, s16, $0xb8;
	[tilespmem:$0x1D800] =	vst v63  }
0xb5: {  	s21 =	simm.s32 $0x10800;
	s23 =	simm.s32 $0x12800;
	_ =	swait.ge [sflag:s11], $0x2000  }
0xb6: {  	s25 =	simm.s32 $0x14800;
	s28 =	simm.s32 $0x16800;
	[sflag:s11] =	ssyncset.done $0x0  }
0xb7: {  	s30 =	simm.s32 $0x18800;
	s15 =	sadd.s32 $0x400, s15;
	[sflag:s11] =	ssyncadd.s32 $0xFFFFE000  }
0xb8: {  	s0 =	simm.s32 $0x1A800;
	s1 =	simm.s32 $0x1  }
0xb9: {  	[tilespmem:s0], [sflag:$0x8] =	stream.indirect.gather [spmem:s2], $0x80, s13, s16, $0xb8;
	[tilespmem:$0x1D800] =	vst v63  }
0xba: {  	_ =	swait.ge [sflag:s1], $0x2000  }
0xbb: {  	[sflag:s1] =	ssyncset.done $0x0  }
0xbc: {  	s12 =	rddreg [dreg:$0x8];
	[sflag:s1] =	ssyncadd.s32 $0xFFFFE000  }
0xbd: {  	[hbm4b:s12+s3] =	stream.linear.scatter [tilespmem:s17], [sflag:$0x9], $0x2000, $0x38;
	[tilespmem:$0x1D800] =	vst v63  }
0xbe: {  	_ =	swait.ge [sflag:s18], $0x2000  }
0xbf: {  	[sflag:s18] =	ssyncset.done $0x0  }
0xc0: {  	s14 =	rddreg [dreg:$0x9];
	[sflag:s18] =	ssyncadd.s32 $0xFFFFE000  }
0xc1: {  	[hbm4b:s14+s3] =	stream.linear.scatter [tilespmem:s19], [sflag:$0xA], $0x2000, $0x38;
	[tilespmem:$0x1D800] =	vst v63  }
0xc2: {  	_ =	swait.ge [sflag:s20], $0x2000  }
0xc3: {  	[sflag:s20] =	ssyncset.done $0x0  }
0xc4: {  	s15 =	rddreg [dreg:$0xa];
	[sflag:s20] =	ssyncadd.s32 $0xFFFFE000  }
0xc5: {  	[hbm4b:s15+s3] =	stream.linear.scatter [tilespmem:s21], [sflag:$0xB], $0x2000, $0x38;
	[tilespmem:$0x1D800] =	vst v63  }
0xc6: {  	_ =	swait.ge [sflag:s22], $0x2000  }
0xc7: {  	[sflag:s22] =	ssyncset.done $0x0  }
0xc8: {  	s17 =	rddreg [dreg:$0xb];
	[sflag:s22] =	ssyncadd.s32 $0xFFFFE000  }
0xc9: {  	[hbm4b:s17+s3] =	stream.linear.scatter [tilespmem:s23], [sflag:$0xC], $0x2000, $0x38;
	[tilespmem:$0x1D800] =	vst v63  }
0xca: {  	_ =	swait.ge [sflag:s24], $0x2000  }
0xcb: {  	[sflag:s24] =	ssyncset.done $0x0  }
0xcc: {  	s19 =	rddreg [dreg:$0xc];
	[sflag:s24] =	ssyncadd.s32 $0xFFFFE000  }
0xcd: {  	[hbm4b:s19+s3] =	stream.linear.scatter [tilespmem:s25], [sflag:$0xD], $0x2000, $0x38;
	[tilespmem:$0x1D800] =	vst v63  }
0xce: {  	_ =	swait.ge [sflag:s26], $0x2000  }
0xcf: {  	[sflag:s26] =	ssyncset.done $0x0  }
0xd0: {  	s21 =	rddreg [dreg:$0xd];
	[sflag:s26] =	ssyncadd.s32 $0xFFFFE000  }
0xd1: {  	[hbm4b:s21+s3] =	stream.linear.scatter [tilespmem:s28], [sflag:$0xE], $0x2000, $0x38;
	[tilespmem:$0x1D800] =	vst v63  }
0xd2: {  	_ =	swait.ge [sflag:s29], $0x2000  }
0xd3: {  	[sflag:s29] =	ssyncset.done $0x0  }
0xd4: {  	s23 =	rddreg [dreg:$0xe];
	[sflag:s29] =	ssyncadd.s32 $0xFFFFE000  }
0xd5: {  	[hbm4b:s23+s3] =	stream.linear.scatter [tilespmem:s30], [sflag:$0xF], $0x2000, $0x38;
	[tilespmem:$0x1D800] =	vst v63  }
0xd6: {  	_ =	swait.ge [sflag:s31], $0x2000  }
0xd7: {  	[sflag:s31] =	ssyncset.done $0x0  }
0xd8: {  	s25 =	rddreg [dreg:$0xf];
	[sflag:s31] =	ssyncadd.s32 $0xFFFFE000  }
0xd9: {  	[hbm4b:s25+s3] =	stream.linear.scatter [tilespmem:s0], [sflag:$0x10], $0x2000, $0x38;
	[tilespmem:$0x1D800] =	vst v63  }
0xda: {  	_ =	swait.ge [sflag:s4], $0x2000  }
0xdb: {  	[sflag:s4] =	ssyncset.done $0x0  }
0xdc: {  	[sflag:s4] =	ssyncadd.s32 $0xFFFFE000  }
0xdd: {  	_ =	swait.ge [sflag:s5], $0x2000  }
0xde: {  	[sflag:s5] =	ssyncset.done $0x0  }
0xdf: {  	[sflag:s5] =	ssyncadd.s32 $0xFFFFE000  }
0xe0: {  	_ =	swait.ge [sflag:s6], $0x2000  }
0xe1: {  	[sflag:s6] =	ssyncset.done $0x0  }
0xe2: {  	[sflag:s6] =	ssyncadd.s32 $0xFFFFE000  }
0xe3: {  	_ =	swait.ge [sflag:s7], $0x2000  }
0xe4: {  	[sflag:s7] =	ssyncset.done $0x0  }
0xe5: {  	[sflag:s7] =	ssyncadd.s32 $0xFFFFE000  }
0xe6: {  	_ =	swait.ge [sflag:s8], $0x2000  }
0xe7: {  	[sflag:s8] =	ssyncset.done $0x0  }
0xe8: {  	[sflag:s8] =	ssyncadd.s32 $0xFFFFE000  }
0xe9: {  	_ =	swait.ge [sflag:s9], $0x2000  }
0xea: {  	[sflag:s9] =	ssyncset.done $0x0  }
0xeb: {  	[sflag:s9] =	ssyncadd.s32 $0xFFFFE000  }
0xec: {  	_ =	swait.ge [sflag:s10], $0x2000  }
0xed: {  	[sflag:s10] =	ssyncset.done $0x0  }
0xee: {  	[sflag:s10] =	ssyncadd.s32 $0xFFFFE000  }
0xef: {  	_ =	swait.ge [sflag:s11], $0x2000  }
0xf0: {  	s28 =	rddreg [dreg:$0x12]  }
0xf1: {  	s30 =	rddreg [dreg:$0x10];
	s0 =	sadd.s32 $0x1, s28  }
0xf2: {  	p1 =	sne.s32 s0, s30  }
.Ltmp1:
0xf3: {  	_ = 	snop;
	(pc) =	sbr.rel @p1 .LBB2_1-.Ltmp1, $3  }
0xf4: {  	_ =	sdelay $0x1  }
0xf5: {  	[sflag:s11] =	ssyncset.done $0x0  }
0xf6: {  	[sflag:s11] =	ssyncadd.s32 $0xFFFFE000  }
0xf7: {  	_ =	sfence.sel $0x180000  }
0xf8: {  	[bflag:$0x0] =	sbarrier.arrive $0xFFFF  }
0xf9: {  	_ =	strace $0x90000047  }
0xfa: {  	[bflag:$0x2] =	sbarrier.arrive $0xFFFF  }
0xfb: {  	s0 =	rddreg [dreg:$0x4]  }
0xfc: {  	s0 =	sadd.s32 @!p0 $0x100000, s0  }
0xfd: {  	[sflag:s0] =	ssyncadd.tile.s32 @!p0 $0x1;
	_ =	shalt  }
.Lfunc_end2:
_tile_overlayer_lowered:
.L_overlay_start_2:
0xfe: {  	(tag) =	ssettag $0x2  }
0xff: {  	s0 =	rddreg [dreg:$0x0];
	s2 =	stileid.u32  }
0x100: {  	s1 =	rddreg [dreg:$0x1];
	p0 =	sne.s32 s2, $0x0  }
0x101: {  	s3 =	rddreg [dreg:$0x2];
	[bflag:$0x3] =	sbarrier.arrive $0xFFFF;
	s2 =	simm.s32 @!p0 $0x1C11  }
0x102: {  	[timem:s3], [sflag:s2] =	dma.local @!p0 [hbm:s0], s1  }
0x103: {  	s0 =	simm.s32 @!p0 $0x11  }
0x104: {  	_ =	swait.ge @!p0 [sflag:s0], s1  }
0x105: {  	s1 =	ssub.s32 @!p0 $0x0, s1;
	[sflag:s0] =	ssyncset.done @!p0 $0x0  }
0x106: {  	[sflag:s0] =	ssyncadd.s32 @!p0 s1  }
0x107: {  	[bflag:$0x3] =	sbarrier.arrive $0xFFFF  }
0x108: {  	_ =	shalt  }

</sc_bundles>
